<compile_context>
chip_gen: v7x
topology: tpu7x:2x2x1
jax: 0.10.2.dev20260603
libtpu: 0.0.44.dev20260713+nightly
codegen_flags: <defaults>
</compile_context>

<pallas_src>
import jax
import jax.numpy as jnp
import numpy as np
from jax import lax
from jax.experimental import pallas as pl
from jax.experimental.pallas import tpu as pltpu
from jax.experimental.pallas import tpu_sc as plsc

RADIUS = 1.0
FACTOR = 0.8
N_FREQ_POINT = 10
N_FREQ_DEFORM = 6
N_POINTS = 16384
N_VERTS = 5023
D_HIDDEN = 128

V_PAD = 5120
BLK = 512
BLK3 = 2048
FAR = 1e30

SC_NC = 2
SC_NS = 16
SC_NW = SC_NC * SC_NS
SC_BPW = N_POINTS // SC_NW
GD = 128
GO = 128

_EP = np.zeros((3, 64), np.float32)
for _k in range(N_FREQ_POINT):
    for _d in range(3):
        _EP[_d, _k * 3 + _d] = 2.0 ** _k
_ED = np.zeros((GO, 64), np.float32)
for _k in range(N_FREQ_DEFORM):
    for _d in range(3):
        _ED[_d, 30 + _k * 3 + _d] = 2.0 ** _k

_W0S = np.zeros(64, np.int64)
_W0C = np.zeros(64, np.int64)
_W0V = np.zeros(64, np.float32)
for _k in range(N_FREQ_POINT):
    for _d in range(3):
        _W0S[_k * 3 + _d] = _d * 20 + _k
        _W0C[_k * 3 + _d] = _d * 20 + 10 + _k
        _W0V[_k * 3 + _d] = 1.0
for _k in range(N_FREQ_DEFORM):
    for _d in range(3):
        _W0S[30 + _k * 3 + _d] = 60 + _d * 12 + _k
        _W0C[30 + _k * 3 + _d] = 60 + _d * 12 + 6 + _k
        _W0V[30 + _k * 3 + _d] = 1.0

_INV2PI = np.float32(0.15915494309189535)
_2PI_HI = np.float32(6.28125)
_2PI_LO = np.float32(6.283185307179586 - 6.28125)
_PSIN = [np.float32(c) for c in (
    1.0, -0.16666667, 0.008333334, -0.0001984127, 2.755731e-06,
    -2.5051795e-08, 1.6053436e-10, -7.5884644e-13)]
_PCOS = [np.float32(c) for c in (
    1.0, -0.5, 0.041666668, -0.0013888888, 2.4801568e-05,
    -2.755673e-07, 2.0866189e-09, -1.1360074e-11)]

_HI = lax.Precision.HIGHEST


def _nn_body(pts_ref, a_ref, vn_ref, idx_ref, dist_ref):
    p = pts_ref[...]
    cp = (p + 1.0) * 0.5
    mm = jnp.dot(cp, a_ref[...], preferred_element_type=jnp.float32)
    q = mm + vn_ref[...]
    mq = jnp.min(q, axis=1)
    idx = jnp.argmin(q, axis=1).astype(jnp.int32)
    pn = jnp.sum(cp * cp, axis=1)
    idx_ref[...] = idx.reshape(1, BLK // 128, 128)
    dist_ref[...] = jnp.sqrt(jnp.maximum(pn + mq, 0.0))[:, None]


SC_CH = 4
SC_CW = SC_BPW // SC_CH


def _gather_body(table_hbm, idx_hbm, out_hbm,
                 i0, i1, i2, i3, r0, r1, r2, r3, s0, s1, s2, s3):
    wid = lax.axis_index("s") * SC_NC + lax.axis_index("c")
    base = wid * SC_BPW
    idx = (i0, i1, i2, i3)
    rows = (r0, r1, r2, r3)
    sems = (s0, s1, s2, s3)
    for c in range(SC_CH):
        pltpu.sync_copy(idx_hbm.at[wid, c], idx[c])
    cps = [pltpu.async_copy(table_hbm.at[idx[c]], rows[c], sems[c])
           for c in range(SC_CH)]
    for c in range(SC_CH):
        cps[c].wait()
        pltpu.sync_copy(rows[c], out_hbm.at[pl.ds(base + c * SC_CW, SC_CW)])


def _poly(cs, x):
    acc = jnp.full_like(x, cs[-1])
    for c in cs[-2::-1]:
        acc = acc * x + c
    return acc


def _mlp_body(pts_ref, g_ref, dist_ref, ep_ref, ed_ref,
              w0s_ref, w0c_ref, b0_ref, w1_ref, b1_ref, w2_ref, b2_ref,
              thr_ref, out_ref, occ_ref):
    p = pts_ref[...]
    cp = (p + 1.0) * 0.5
    dist = dist_ref[...]
    scale = 1.0 / jnp.exp(dist)
    deform = g_ref[...] * scale
    ang = (jnp.dot(cp, ep_ref[...], preferred_element_type=jnp.float32,
                   precision=_HI)
           + jnp.dot(deform, ed_ref[...], preferred_element_type=jnp.float32,
                     precision=_HI))
    n = jnp.round(ang * _INV2PI)
    r = (ang - n * _2PI_HI) - n * _2PI_LO
    x2 = r * r
    sinr = r * _poly(_PSIN, x2)
    cosr = _poly(_PCOS, x2)
    h = (jnp.dot(sinr, w0s_ref[...], preferred_element_type=jnp.float32)
         + jnp.dot(cosr, w0c_ref[...], preferred_element_type=jnp.float32)
         + b0_ref[...])
    h = jnp.maximum(h, 0.0)
    h = jnp.maximum(jnp.dot(h, w1_ref[...], preferred_element_type=jnp.float32)
                    + b1_ref[...], 0.0)
    out = jnp.dot(h, w2_ref[...], preferred_element_type=jnp.float32) + b2_ref[...]
    mask = (dist <= thr_ref[0, 0]).astype(jnp.float32)
    ad = out[:, 0:3] + deform[:, 0:3]
    deformed = cp + ad * mask
    out_ref[...] = deformed
    occ_ref[...] = jax.nn.sigmoid(out[:, 3:4])


@jax.jit
def kernel(points, mesh_canonical, mesh_deformed, W0, b0, W1, b1, W2, b2):
    f32 = jnp.float32
    cmc = (mesh_canonical + RADIUS) / (2.0 * RADIUS)
    cmd = (mesh_deformed + RADIUS) / (2.0 * RADIUS)
    centered = cmd - cmd.mean(axis=0, keepdims=True)
    mesh_scale = jnp.sqrt(jnp.max(jnp.sum(centered * centered, axis=-1)))
    thr = (FACTOR * mesh_scale).reshape(1, 1).astype(f32)

    A = jnp.zeros((3, V_PAD), f32).at[:, :N_VERTS].set(-2.0 * cmd.T)
    vn = jnp.full((1, V_PAD), FAR, f32).at[0, :N_VERTS].set(
        jnp.sum(cmd * cmd, axis=1))
    G = jnp.zeros((V_PAD, GD), f32).at[:N_VERTS, 0:3].set(cmc - cmd)

    W0s = W0[_W0S] * _W0V[:, None]
    W0cs = W0[_W0C] * _W0V[:, None]
    W2p = jnp.zeros((D_HIDDEN, 8), f32).at[:, :4].set(W2)
    b2p = jnp.zeros((1, 8), f32).at[0, :4].set(b2)

    const = lambda shape: pl.BlockSpec(shape, lambda i: (0, 0))

    idx2d, dist2d = pl.pallas_call(
        _nn_body,
        grid=(N_POINTS // BLK,),
        in_specs=[
            pl.BlockSpec((BLK, 3), lambda i: (i, 0)),
            const((3, V_PAD)),
            const((1, V_PAD)),
        ],
        out_specs=[
            pl.BlockSpec((1, BLK // 128, 128), lambda i: (i, 0, 0)),
            pl.BlockSpec((BLK, 1), lambda i: (i, 0)),
        ],
        out_shape=[
            jax.ShapeDtypeStruct((N_POINTS // BLK, BLK // 128, 128), jnp.int32),
            jax.ShapeDtypeStruct((N_POINTS, 1), f32),
        ],
        compiler_params=pltpu.CompilerParams(
            dimension_semantics=("arbitrary",)),
    )(points, A, vn)

    gather = pl.kernel(
        _gather_body,
        mesh=plsc.VectorSubcoreMesh(core_axis_name="c", subcore_axis_name="s"),
        out_type=jax.ShapeDtypeStruct((N_POINTS, GO), f32),
        scratch_types=(
            [pltpu.VMEM((SC_CW,), jnp.int32)] * SC_CH
            + [pltpu.VMEM((SC_CW, GD), f32)] * SC_CH
            + [pltpu.SemaphoreType.DMA] * SC_CH
        ),
    )
    gth = gather(G, idx2d)

    out, occ = pl.pallas_call(
        _mlp_body,
        grid=(N_POINTS // BLK3,),
        in_specs=[
            pl.BlockSpec((BLK3, 3), lambda i: (i, 0)),
            pl.BlockSpec((BLK3, GO), lambda i: (i, 0)),
            pl.BlockSpec((BLK3, 1), lambda i: (i, 0)),
            const((3, 64)),
            const((GO, 64)),
            const((64, D_HIDDEN)),
            const((64, D_HIDDEN)),
            const((1, D_HIDDEN)),
            const((D_HIDDEN, D_HIDDEN)),
            const((1, D_HIDDEN)),
            const((D_HIDDEN, 8)),
            const((1, 8)),
            const((1, 1)),
        ],
        out_specs=[
            pl.BlockSpec((BLK3, 3), lambda i: (i, 0)),
            pl.BlockSpec((BLK3, 1), lambda i: (i, 0)),
        ],
        out_shape=[
            jax.ShapeDtypeStruct((N_POINTS, 3), f32),
            jax.ShapeDtypeStruct((N_POINTS, 1), f32),
        ],
        compiler_params=pltpu.CompilerParams(
            dimension_semantics=("arbitrary",)),
    )(points, gth, dist2d, jnp.asarray(_EP), jnp.asarray(_ED),
      W0s, W0cs, b0.reshape(1, -1),
      W1, b1.reshape(1, -1), W2p, b2p, thr)
    return (out, occ)

# --- scband reference (transcript-rebuilt; emitter-appended) ---
"""Pipeline reference for scband-rignerf-deformation-56770877718824 (READ-ONLY COPY).

The authoritative reference and input builder live on the scoring server;
editing this copy changes nothing except your own understanding.
"""

import jax, jax.numpy as jnp
import numpy as np

RADIUS = 1.0
FACTOR = 0.8
N_FREQ_POINT = 10
N_FREQ_DEFORM = 6
N_POINTS = 16384
N_VERTS = 5023
D_HIDDEN = 128


def _contract_aabb(x, radius=RADIUS):
    # contract_to_unisphere with AABB contraction: scale_anything (-r, r) -> (0, 1)
    return (x + radius) / (2.0 * radius)


def _freq_encode(x, n_freq):
    freqs = 2.0 ** jnp.arange(n_freq, dtype=jnp.float32)
    xf = x[..., None] * freqs
    enc = jnp.concatenate([jnp.sin(xf), jnp.cos(xf)], axis=-1)
    return enc.reshape(x.shape[0], -1)


def setup_inputs(seed: int = 0):
    key = jax.random.key(seed)
    ks = jax.random.split(key, 10)
    points = jax.random.normal(ks[0], (N_POINTS, 3), jnp.float32) * 0.5
    mesh_canonical = jax.random.normal(ks[1], (N_VERTS, 3), jnp.float32) * 0.3
    mesh_deformed = mesh_canonical + jax.random.normal(ks[2], (N_VERTS, 3), jnp.float32) * 0.05
    d_in = 2 * 3 * N_FREQ_POINT + 2 * 3 * N_FREQ_DEFORM  # 60 + 36 = 96
    W0 = jax.random.normal(ks[3], (d_in, D_HIDDEN), jnp.float32) * (1.0 / np.sqrt(d_in))
    b0 = jnp.zeros((D_HIDDEN,), jnp.float32)
    W1 = jax.random.normal(ks[4], (D_HIDDEN, D_HIDDEN), jnp.float32) * (1.0 / np.sqrt(D_HIDDEN))
    b1 = jnp.zeros((D_HIDDEN,), jnp.float32)
    W2 = jax.random.normal(ks[5], (D_HIDDEN, 4), jnp.float32) * (1.0 / np.sqrt(D_HIDDEN))
    b2 = jnp.zeros((4,), jnp.float32)
    return {"points": points, "mesh_canonical": mesh_canonical, "mesh_deformed": mesh_deformed,
            "W0": W0, "b0": b0, "W1": W1, "b1": b1, "W2": W2, "b2": b2}


def reference(points, mesh_canonical, mesh_deformed, W0, b0, W1, b1, W2, b2):
    cp = _contract_aabb(points)
    cmc = _contract_aabb(mesh_canonical)
    cmd = _contract_aabb(mesh_deformed)
    centered = cmd - cmd.mean(axis=0, keepdims=True)
    # mesh_scale is detached (.detach().cpu().numpy()) in torch
    mesh_scale = jax.lax.stop_gradient(jnp.linalg.norm(centered, axis=-1).max())
    # brute-force 1-NN (replaces scipy.spatial.KDTree.query)
    d2 = (cp * cp).sum(-1, keepdims=True) - 2.0 * cp @ cmd.T + (cmd * cmd).sum(-1)[None, :]
    idx = jnp.argmin(d2, axis=-1)
    dist = jnp.sqrt(jnp.maximum(jnp.take_along_axis(d2, idx[:, None], axis=-1)[:, 0], 0.0))
    # KDTree query + numpy roundtrip are non-differentiable in the torch original
    dist = jax.lax.stop_gradient(dist)
    deform_mesh_points = jax.lax.stop_gradient(cmd[idx])
    canonical_mesh_points = jax.lax.stop_gradient(cmc[idx])
    mask = jnp.where((dist > FACTOR * mesh_scale)[:, None], 0.0, 1.0)
    deform = (canonical_mesh_points - deform_mesh_points) / jnp.exp(dist)[:, None]
    enc_d = _freq_encode(deform, N_FREQ_DEFORM)
    enc_p = _freq_encode(cp, N_FREQ_POINT)
    h = jnp.concatenate([enc_p, enc_d], axis=-1)
    h = jax.nn.relu(h @ W0 + b0)
    h = jax.nn.relu(h @ W1 + b1)
    out = h @ W2 + b2
    net_deform = out[:, :3]
    occ = jax.nn.sigmoid(out[:, 3:4])
    all_deform = net_deform + deform
    deformed_points = cp + all_deform * mask
    return (deformed_points, occ)

if __name__ == "__main__":
    import jax
    _d = setup_inputs()
    print(jax.jit(kernel)(*tuple(_d.values())))

</pallas_src>

<mosaic_0001>
#map = affine_map<(d0, d1) -> (0, 0)>
#map1 = affine_map<(d0, d1) -> (0, 0, 0)>
module attributes {stable_mosaic.version = 14 : i64} {
  func.func @_gather_body(%arg0: i32, %arg1: i32, %arg2: memref<5120x128xf32, #tpu.memory_space<hbm>>, %arg3: memref<32x4x128xi32, #tpu.memory_space<hbm>>, %arg4: memref<16384x128xf32, #tpu.memory_space<hbm>>, %arg5: memref<128xi32, #tpu.memory_space<vmem>>, %arg6: memref<128xi32, #tpu.memory_space<vmem>>, %arg7: memref<128xi32, #tpu.memory_space<vmem>>, %arg8: memref<128xi32, #tpu.memory_space<vmem>>, %arg9: memref<128x128xf32, #tpu.memory_space<vmem>>, %arg10: memref<128x128xf32, #tpu.memory_space<vmem>>, %arg11: memref<128x128xf32, #tpu.memory_space<vmem>>, %arg12: memref<128x128xf32, #tpu.memory_space<vmem>>, %arg13: memref<!tpu.dma_semaphore, #tpu.memory_space<semaphore_mem>>, %arg14: memref<!tpu.dma_semaphore, #tpu.memory_space<semaphore_mem>>, %arg15: memref<!tpu.dma_semaphore, #tpu.memory_space<semaphore_mem>>, %arg16: memref<!tpu.dma_semaphore, #tpu.memory_space<semaphore_mem>>) attributes {dimension_semantics = [#tpu.dimension_semantics<core_parallel>, #tpu.dimension_semantics<subcore_parallel>], iteration_bounds = array<i64: 2, 16>, scalar_prefetch = 0 : i64, scratch_operands = 12 : i64, tpu.core_type = #tpu.core_type<sc_vector_subcore>, window_params = [{transform_indices = #map}, {transform_indices = #map1}, {transform_indices = #map}]} {
    %mul3A = arith.constant 2 : i32
    %mul3A_0 = arith.muli %arg1, %mul3A : i32
    %add3A = arith.addi %mul3A_0, %arg0 : i32
    %mul3A_1 = arith.constant 512 : i32
    %mul3A_2 = arith.muli %add3A, %mul3A_1 : i32
    %run_scoped3A = arith.constant 0 : i32
    "tpu.region"() ({
      %run_scoped3A_36 = tpu.sem_alloc : memref<!tpu.dma_semaphore, #tpu.memory_space<semaphore_mem>>
      %dma_start3A_37 = arith.constant 0 : i32
      %dma_start3A_38 = tpu.memref_slice %arg3[%add3A, %run_scoped3A, %dma_start3A_37] : memref<32x4x128xi32, #tpu.memory_space<hbm>> -> memref<1x1x128xi32, #tpu.memory_space<hbm>>
      %dma_start3A_39 = tpu.memref_squeeze %dma_start3A_38 : memref<1x1x128xi32, #tpu.memory_space<hbm>> -> memref<128xi32, #tpu.memory_space<hbm>>
      %dma_start3A_40 = arith.constant 0 : i32
      %dma_start3A_41 = tpu.memref_slice %arg3[%add3A, %run_scoped3A, %dma_start3A_40] : memref<32x4x128xi32, #tpu.memory_space<hbm>> -> memref<1x1x128xi32, #tpu.memory_space<hbm>>
      %dma_start3A_42 = tpu.memref_squeeze %dma_start3A_41 : memref<1x1x128xi32, #tpu.memory_space<hbm>> -> memref<128xi32, #tpu.memory_space<hbm>>
      tpu.enqueue_dma source(%dma_start3A_42 : memref<128xi32, #tpu.memory_space<hbm>>) target(%arg5 : memref<128xi32, #tpu.memory_space<vmem>>) target_semaphore(%run_scoped3A_36 : memref<!tpu.dma_semaphore, #tpu.memory_space<semaphore_mem>>)
      %dma_wait3A_43 = arith.constant 0 : i32
      %dma_wait3A_44 = tpu.memref_slice %arg3[%add3A, %run_scoped3A, %dma_wait3A_43] : memref<32x4x128xi32, #tpu.memory_space<hbm>> -> memref<1x1x128xi32, #tpu.memory_space<hbm>>
      %dma_wait3A_45 = tpu.memref_squeeze %dma_wait3A_44 : memref<1x1x128xi32, #tpu.memory_space<hbm>> -> memref<128xi32, #tpu.memory_space<hbm>>
      %dma_wait3A_46 = arith.constant 0 : i32
      %dma_wait3A_47 = tpu.memref_slice %arg3[%add3A, %run_scoped3A, %dma_wait3A_46] : memref<32x4x128xi32, #tpu.memory_space<hbm>> -> memref<1x1x128xi32, #tpu.memory_space<hbm>>
      %dma_wait3A_48 = tpu.memref_squeeze %dma_wait3A_47 : memref<1x1x128xi32, #tpu.memory_space<hbm>> -> memref<128xi32, #tpu.memory_space<hbm>>
      tpu.wait_dma2 semaphore(%run_scoped3A_36 : memref<!tpu.dma_semaphore, #tpu.memory_space<semaphore_mem>>) src(%dma_wait3A_48 : memref<128xi32, #tpu.memory_space<hbm>>) dst(%arg5 : memref<128xi32, #tpu.memory_space<vmem>>)
      tpu.yield
    }) : () -> ()
    %run_scoped3A_3 = arith.constant 1 : i32
    "tpu.region"() ({
      %run_scoped3A_36 = tpu.sem_alloc : memref<!tpu.dma_semaphore, #tpu.memory_space<semaphore_mem>>
      %dma_start3A_37 = arith.constant 0 : i32
      %dma_start3A_38 = tpu.memref_slice %arg3[%add3A, %run_scoped3A_3, %dma_start3A_37] : memref<32x4x128xi32, #tpu.memory_space<hbm>> -> memref<1x1x128xi32, #tpu.memory_space<hbm>>
      %dma_start3A_39 = tpu.memref_squeeze %dma_start3A_38 : memref<1x1x128xi32, #tpu.memory_space<hbm>> -> memref<128xi32, #tpu.memory_space<hbm>>
      %dma_start3A_40 = arith.constant 0 : i32
      %dma_start3A_41 = tpu.memref_slice %arg3[%add3A, %run_scoped3A_3, %dma_start3A_40] : memref<32x4x128xi32, #tpu.memory_space<hbm>> -> memref<1x1x128xi32, #tpu.memory_space<hbm>>
      %dma_start3A_42 = tpu.memref_squeeze %dma_start3A_41 : memref<1x1x128xi32, #tpu.memory_space<hbm>> -> memref<128xi32, #tpu.memory_space<hbm>>
      tpu.enqueue_dma source(%dma_start3A_42 : memref<128xi32, #tpu.memory_space<hbm>>) target(%arg6 : memref<128xi32, #tpu.memory_space<vmem>>) target_semaphore(%run_scoped3A_36 : memref<!tpu.dma_semaphore, #tpu.memory_space<semaphore_mem>>)
      %dma_wait3A_43 = arith.constant 0 : i32
      %dma_wait3A_44 = tpu.memref_slice %arg3[%add3A, %run_scoped3A_3, %dma_wait3A_43] : memref<32x4x128xi32, #tpu.memory_space<hbm>> -> memref<1x1x128xi32, #tpu.memory_space<hbm>>
      %dma_wait3A_45 = tpu.memref_squeeze %dma_wait3A_44 : memref<1x1x128xi32, #tpu.memory_space<hbm>> -> memref<128xi32, #tpu.memory_space<hbm>>
      %dma_wait3A_46 = arith.constant 0 : i32
      %dma_wait3A_47 = tpu.memref_slice %arg3[%add3A, %run_scoped3A_3, %dma_wait3A_46] : memref<32x4x128xi32, #tpu.memory_space<hbm>> -> memref<1x1x128xi32, #tpu.memory_space<hbm>>
      %dma_wait3A_48 = tpu.memref_squeeze %dma_wait3A_47 : memref<1x1x128xi32, #tpu.memory_space<hbm>> -> memref<128xi32, #tpu.memory_space<hbm>>
      tpu.wait_dma2 semaphore(%run_scoped3A_36 : memref<!tpu.dma_semaphore, #tpu.memory_space<semaphore_mem>>) src(%dma_wait3A_48 : memref<128xi32, #tpu.memory_space<hbm>>) dst(%arg6 : memref<128xi32, #tpu.memory_space<vmem>>)
      tpu.yield
    }) : () -> ()
    %run_scoped3A_4 = arith.constant 2 : i32
    "tpu.region"() ({
      %run_scoped3A_36 = tpu.sem_alloc : memref<!tpu.dma_semaphore, #tpu.memory_space<semaphore_mem>>
      %dma_start3A_37 = arith.constant 0 : i32
      %dma_start3A_38 = tpu.memref_slice %arg3[%add3A, %run_scoped3A_4, %dma_start3A_37] : memref<32x4x128xi32, #tpu.memory_space<hbm>> -> memref<1x1x128xi32, #tpu.memory_space<hbm>>
      %dma_start3A_39 = tpu.memref_squeeze %dma_start3A_38 : memref<1x1x128xi32, #tpu.memory_space<hbm>> -> memref<128xi32, #tpu.memory_space<hbm>>
      %dma_start3A_40 = arith.constant 0 : i32
      %dma_start3A_41 = tpu.memref_slice %arg3[%add3A, %run_scoped3A_4, %dma_start3A_40] : memref<32x4x128xi32, #tpu.memory_space<hbm>> -> memref<1x1x128xi32, #tpu.memory_space<hbm>>
      %dma_start3A_42 = tpu.memref_squeeze %dma_start3A_41 : memref<1x1x128xi32, #tpu.memory_space<hbm>> -> memref<128xi32, #tpu.memory_space<hbm>>
      tpu.enqueue_dma source(%dma_start3A_42 : memref<128xi32, #tpu.memory_space<hbm>>) target(%arg7 : memref<128xi32, #tpu.memory_space<vmem>>) target_semaphore(%run_scoped3A_36 : memref<!tpu.dma_semaphore, #tpu.memory_space<semaphore_mem>>)
      %dma_wait3A_43 = arith.constant 0 : i32
      %dma_wait3A_44 = tpu.memref_slice %arg3[%add3A, %run_scoped3A_4, %dma_wait3A_43] : memref<32x4x128xi32, #tpu.memory_space<hbm>> -> memref<1x1x128xi32, #tpu.memory_space<hbm>>
      %dma_wait3A_45 = tpu.memref_squeeze %dma_wait3A_44 : memref<1x1x128xi32, #tpu.memory_space<hbm>> -> memref<128xi32, #tpu.memory_space<hbm>>
      %dma_wait3A_46 = arith.constant 0 : i32
      %dma_wait3A_47 = tpu.memref_slice %arg3[%add3A, %run_scoped3A_4, %dma_wait3A_46] : memref<32x4x128xi32, #tpu.memory_space<hbm>> -> memref<1x1x128xi32, #tpu.memory_space<hbm>>
      %dma_wait3A_48 = tpu.memref_squeeze %dma_wait3A_47 : memref<1x1x128xi32, #tpu.memory_space<hbm>> -> memref<128xi32, #tpu.memory_space<hbm>>
      tpu.wait_dma2 semaphore(%run_scoped3A_36 : memref<!tpu.dma_semaphore, #tpu.memory_space<semaphore_mem>>) src(%dma_wait3A_48 : memref<128xi32, #tpu.memory_space<hbm>>) dst(%arg7 : memref<128xi32, #tpu.memory_space<vmem>>)
      tpu.yield
    }) : () -> ()
    %run_scoped3A_5 = arith.constant 3 : i32
    "tpu.region"() ({
      %run_scoped3A_36 = tpu.sem_alloc : memref<!tpu.dma_semaphore, #tpu.memory_space<semaphore_mem>>
      %dma_start3A_37 = arith.constant 0 : i32
      %dma_start3A_38 = tpu.memref_slice %arg3[%add3A, %run_scoped3A_5, %dma_start3A_37] : memref<32x4x128xi32, #tpu.memory_space<hbm>> -> memref<1x1x128xi32, #tpu.memory_space<hbm>>
      %dma_start3A_39 = tpu.memref_squeeze %dma_start3A_38 : memref<1x1x128xi32, #tpu.memory_space<hbm>> -> memref<128xi32, #tpu.memory_space<hbm>>
      %dma_start3A_40 = arith.constant 0 : i32
      %dma_start3A_41 = tpu.memref_slice %arg3[%add3A, %run_scoped3A_5, %dma_start3A_40] : memref<32x4x128xi32, #tpu.memory_space<hbm>> -> memref<1x1x128xi32, #tpu.memory_space<hbm>>
      %dma_start3A_42 = tpu.memref_squeeze %dma_start3A_41 : memref<1x1x128xi32, #tpu.memory_space<hbm>> -> memref<128xi32, #tpu.memory_space<hbm>>
      tpu.enqueue_dma source(%dma_start3A_42 : memref<128xi32, #tpu.memory_space<hbm>>) target(%arg8 : memref<128xi32, #tpu.memory_space<vmem>>) target_semaphore(%run_scoped3A_36 : memref<!tpu.dma_semaphore, #tpu.memory_space<semaphore_mem>>)
      %dma_wait3A_43 = arith.constant 0 : i32
      %dma_wait3A_44 = tpu.memref_slice %arg3[%add3A, %run_scoped3A_5, %dma_wait3A_43] : memref<32x4x128xi32, #tpu.memory_space<hbm>> -> memref<1x1x128xi32, #tpu.memory_space<hbm>>
      %dma_wait3A_45 = tpu.memref_squeeze %dma_wait3A_44 : memref<1x1x128xi32, #tpu.memory_space<hbm>> -> memref<128xi32, #tpu.memory_space<hbm>>
      %dma_wait3A_46 = arith.constant 0 : i32
      %dma_wait3A_47 = tpu.memref_slice %arg3[%add3A, %run_scoped3A_5, %dma_wait3A_46] : memref<32x4x128xi32, #tpu.memory_space<hbm>> -> memref<1x1x128xi32, #tpu.memory_space<hbm>>
      %dma_wait3A_48 = tpu.memref_squeeze %dma_wait3A_47 : memref<1x1x128xi32, #tpu.memory_space<hbm>> -> memref<128xi32, #tpu.memory_space<hbm>>
      tpu.wait_dma2 semaphore(%run_scoped3A_36 : memref<!tpu.dma_semaphore, #tpu.memory_space<semaphore_mem>>) src(%dma_wait3A_48 : memref<128xi32, #tpu.memory_space<hbm>>) dst(%arg8 : memref<128xi32, #tpu.memory_space<vmem>>)
      tpu.yield
    }) : () -> ()
    %dma_start3A = arith.constant 0 : i32
    %dma_start3A_6 = arith.constant 0 : i32
    %dma_start3A_7 = tpu.memref_slice %arg2[%dma_start3A, %dma_start3A_6] : memref<5120x128xf32, #tpu.memory_space<hbm>> -> memref<5120x128xf32, #tpu.memory_space<hbm>>
    tpu.enqueue_indirect_dma source(%dma_start3A_7 : memref<5120x128xf32, #tpu.memory_space<hbm>>) target(%arg9 : memref<128x128xf32, #tpu.memory_space<vmem>>) offsets(%arg5 : memref<128xi32, #tpu.memory_space<vmem>>) semaphore(%arg13 : memref<!tpu.dma_semaphore, #tpu.memory_space<semaphore_mem>>)
    %dma_start3A_8 = arith.constant 0 : i32
    %dma_start3A_9 = arith.constant 0 : i32
    %dma_start3A_10 = tpu.memref_slice %arg2[%dma_start3A_8, %dma_start3A_9] : memref<5120x128xf32, #tpu.memory_space<hbm>> -> memref<5120x128xf32, #tpu.memory_space<hbm>>
    tpu.enqueue_indirect_dma source(%dma_start3A_10 : memref<5120x128xf32, #tpu.memory_space<hbm>>) target(%arg10 : memref<128x128xf32, #tpu.memory_space<vmem>>) offsets(%arg6 : memref<128xi32, #tpu.memory_space<vmem>>) semaphore(%arg14 : memref<!tpu.dma_semaphore, #tpu.memory_space<semaphore_mem>>)
    %dma_start3A_11 = arith.constant 0 : i32
    %dma_start3A_12 = arith.constant 0 : i32
    %dma_start3A_13 = tpu.memref_slice %arg2[%dma_start3A_11, %dma_start3A_12] : memref<5120x128xf32, #tpu.memory_space<hbm>> -> memref<5120x128xf32, #tpu.memory_space<hbm>>
    tpu.enqueue_indirect_dma source(%dma_start3A_13 : memref<5120x128xf32, #tpu.memory_space<hbm>>) target(%arg11 : memref<128x128xf32, #tpu.memory_space<vmem>>) offsets(%arg7 : memref<128xi32, #tpu.memory_space<vmem>>) semaphore(%arg15 : memref<!tpu.dma_semaphore, #tpu.memory_space<semaphore_mem>>)
    %dma_start3A_14 = arith.constant 0 : i32
    %dma_start3A_15 = arith.constant 0 : i32
    %dma_start3A_16 = tpu.memref_slice %arg2[%dma_start3A_14, %dma_start3A_15] : memref<5120x128xf32, #tpu.memory_space<hbm>> -> memref<5120x128xf32, #tpu.memory_space<hbm>>
    tpu.enqueue_indirect_dma source(%dma_start3A_16 : memref<5120x128xf32, #tpu.memory_space<hbm>>) target(%arg12 : memref<128x128xf32, #tpu.memory_space<vmem>>) offsets(%arg8 : memref<128xi32, #tpu.memory_space<vmem>>) semaphore(%arg16 : memref<!tpu.dma_semaphore, #tpu.memory_space<semaphore_mem>>)
    %dma_wait3A = arith.constant 0 : i32
    %dma_wait3A_17 = arith.constant 0 : i32
    %dma_wait3A_18 = tpu.memref_slice %arg2[%dma_wait3A, %dma_wait3A_17] : memref<5120x128xf32, #tpu.memory_space<hbm>> -> memref<5120x128xf32, #tpu.memory_space<hbm>>
    tpu.wait_indirect_dma semaphore(%arg13 : memref<!tpu.dma_semaphore, #tpu.memory_space<semaphore_mem>>) src(%dma_wait3A_18 : memref<5120x128xf32, #tpu.memory_space<hbm>>) dst(%arg9 : memref<128x128xf32, #tpu.memory_space<vmem>>)
    %add3A_19 = arith.constant 0 : i32
    %add3A_20 = arith.addi %mul3A_2, %add3A_19 : i32
    "tpu.region"() ({
      %run_scoped3A_36 = tpu.sem_alloc : memref<!tpu.dma_semaphore, #tpu.memory_space<semaphore_mem>>
      %dma_start3A_37 = arith.constant 0 : i32
      %dma_start3A_38 = tpu.memref_slice %arg4[%add3A_20, %dma_start3A_37] : memref<16384x128xf32, #tpu.memory_space<hbm>> -> memref<128x128xf32, #tpu.memory_space<hbm>>
      %dma_start3A_39 = arith.constant 0 : i32
      %dma_start3A_40 = tpu.memref_slice %arg4[%add3A_20, %dma_start3A_39] : memref<16384x128xf32, #tpu.memory_space<hbm>> -> memref<128x128xf32, #tpu.memory_space<hbm>>
      tpu.enqueue_dma source(%arg9 : memref<128x128xf32, #tpu.memory_space<vmem>>) target(%dma_start3A_40 : memref<128x128xf32, #tpu.memory_space<hbm>>) target_semaphore(%run_scoped3A_36 : memref<!tpu.dma_semaphore, #tpu.memory_space<semaphore_mem>>)
      %dma_wait3A_41 = arith.constant 0 : i32
      %dma_wait3A_42 = tpu.memref_slice %arg4[%add3A_20, %dma_wait3A_41] : memref<16384x128xf32, #tpu.memory_space<hbm>> -> memref<128x128xf32, #tpu.memory_space<hbm>>
      %dma_wait3A_43 = arith.constant 0 : i32
      %dma_wait3A_44 = tpu.memref_slice %arg4[%add3A_20, %dma_wait3A_43] : memref<16384x128xf32, #tpu.memory_space<hbm>> -> memref<128x128xf32, #tpu.memory_space<hbm>>
      tpu.wait_dma2 semaphore(%run_scoped3A_36 : memref<!tpu.dma_semaphore, #tpu.memory_space<semaphore_mem>>) src(%arg9 : memref<128x128xf32, #tpu.memory_space<vmem>>) dst(%dma_wait3A_44 : memref<128x128xf32, #tpu.memory_space<hbm>>)
      tpu.yield
    }) : () -> ()
    %dma_wait3A_21 = arith.constant 0 : i32
    %dma_wait3A_22 = arith.constant 0 : i32
    %dma_wait3A_23 = tpu.memref_slice %arg2[%dma_wait3A_21, %dma_wait3A_22] : memref<5120x128xf32, #tpu.memory_space<hbm>> -> memref<5120x128xf32, #tpu.memory_space<hbm>>
    tpu.wait_indirect_dma semaphore(%arg14 : memref<!tpu.dma_semaphore, #tpu.memory_space<semaphore_mem>>) src(%dma_wait3A_23 : memref<5120x128xf32, #tpu.memory_space<hbm>>) dst(%arg10 : memref<128x128xf32, #tpu.memory_space<vmem>>)
    %add3A_24 = arith.constant 128 : i32
    %add3A_25 = arith.addi %mul3A_2, %add3A_24 : i32
    "tpu.region"() ({
      %run_scoped3A_36 = tpu.sem_alloc : memref<!tpu.dma_semaphore, #tpu.memory_space<semaphore_mem>>
      %dma_start3A_37 = arith.constant 0 : i32
      %dma_start3A_38 = tpu.memref_slice %arg4[%add3A_25, %dma_start3A_37] : memref<16384x128xf32, #tpu.memory_space<hbm>> -> memref<128x128xf32, #tpu.memory_space<hbm>>
      %dma_start3A_39 = arith.constant 0 : i32
      %dma_start3A_40 = tpu.memref_slice %arg4[%add3A_25, %dma_start3A_39] : memref<16384x128xf32, #tpu.memory_space<hbm>> -> memref<128x128xf32, #tpu.memory_space<hbm>>
      tpu.enqueue_dma source(%arg10 : memref<128x128xf32, #tpu.memory_space<vmem>>) target(%dma_start3A_40 : memref<128x128xf32, #tpu.memory_space<hbm>>) target_semaphore(%run_scoped3A_36 : memref<!tpu.dma_semaphore, #tpu.memory_space<semaphore_mem>>)
      %dma_wait3A_41 = arith.constant 0 : i32
      %dma_wait3A_42 = tpu.memref_slice %arg4[%add3A_25, %dma_wait3A_41] : memref<16384x128xf32, #tpu.memory_space<hbm>> -> memref<128x128xf32, #tpu.memory_space<hbm>>
      %dma_wait3A_43 = arith.constant 0 : i32
      %dma_wait3A_44 = tpu.memref_slice %arg4[%add3A_25, %dma_wait3A_43] : memref<16384x128xf32, #tpu.memory_space<hbm>> -> memref<128x128xf32, #tpu.memory_space<hbm>>
      tpu.wait_dma2 semaphore(%run_scoped3A_36 : memref<!tpu.dma_semaphore, #tpu.memory_space<semaphore_mem>>) src(%arg10 : memref<128x128xf32, #tpu.memory_space<vmem>>) dst(%dma_wait3A_44 : memref<128x128xf32, #tpu.memory_space<hbm>>)
      tpu.yield
    }) : () -> ()
    %dma_wait3A_26 = arith.constant 0 : i32
    %dma_wait3A_27 = arith.constant 0 : i32
    %dma_wait3A_28 = tpu.memref_slice %arg2[%dma_wait3A_26, %dma_wait3A_27] : memref<5120x128xf32, #tpu.memory_space<hbm>> -> memref<5120x128xf32, #tpu.memory_space<hbm>>
    tpu.wait_indirect_dma semaphore(%arg15 : memref<!tpu.dma_semaphore, #tpu.memory_space<semaphore_mem>>) src(%dma_wait3A_28 : memref<5120x128xf32, #tpu.memory_space<hbm>>) dst(%arg11 : memref<128x128xf32, #tpu.memory_space<vmem>>)
    %add3A_29 = arith.constant 256 : i32
    %add3A_30 = arith.addi %mul3A_2, %add3A_29 : i32
    "tpu.region"() ({
      %run_scoped3A_36 = tpu.sem_alloc : memref<!tpu.dma_semaphore, #tpu.memory_space<semaphore_mem>>
      %dma_start3A_37 = arith.constant 0 : i32
      %dma_start3A_38 = tpu.memref_slice %arg4[%add3A_30, %dma_start3A_37] : memref<16384x128xf32, #tpu.memory_space<hbm>> -> memref<128x128xf32, #tpu.memory_space<hbm>>
      %dma_start3A_39 = arith.constant 0 : i32
      %dma_start3A_40 = tpu.memref_slice %arg4[%add3A_30, %dma_start3A_39] : memref<16384x128xf32, #tpu.memory_space<hbm>> -> memref<128x128xf32, #tpu.memory_space<hbm>>
      tpu.enqueue_dma source(%arg11 : memref<128x128xf32, #tpu.memory_space<vmem>>) target(%dma_start3A_40 : memref<128x128xf32, #tpu.memory_space<hbm>>) target_semaphore(%run_scoped3A_36 : memref<!tpu.dma_semaphore, #tpu.memory_space<semaphore_mem>>)
      %dma_wait3A_41 = arith.constant 0 : i32
      %dma_wait3A_42 = tpu.memref_slice %arg4[%add3A_30, %dma_wait3A_41] : memref<16384x128xf32, #tpu.memory_space<hbm>> -> memref<128x128xf32, #tpu.memory_space<hbm>>
      %dma_wait3A_43 = arith.constant 0 : i32
      %dma_wait3A_44 = tpu.memref_slice %arg4[%add3A_30, %dma_wait3A_43] : memref<16384x128xf32, #tpu.memory_space<hbm>> -> memref<128x128xf32, #tpu.memory_space<hbm>>
      tpu.wait_dma2 semaphore(%run_scoped3A_36 : memref<!tpu.dma_semaphore, #tpu.memory_space<semaphore_mem>>) src(%arg11 : memref<128x128xf32, #tpu.memory_space<vmem>>) dst(%dma_wait3A_44 : memref<128x128xf32, #tpu.memory_space<hbm>>)
      tpu.yield
    }) : () -> ()
    %dma_wait3A_31 = arith.constant 0 : i32
    %dma_wait3A_32 = arith.constant 0 : i32
    %dma_wait3A_33 = tpu.memref_slice %arg2[%dma_wait3A_31, %dma_wait3A_32] : memref<5120x128xf32, #tpu.memory_space<hbm>> -> memref<5120x128xf32, #tpu.memory_space<hbm>>
    tpu.wait_indirect_dma semaphore(%arg16 : memref<!tpu.dma_semaphore, #tpu.memory_space<semaphore_mem>>) src(%dma_wait3A_33 : memref<5120x128xf32, #tpu.memory_space<hbm>>) dst(%arg12 : memref<128x128xf32, #tpu.memory_space<vmem>>)
    %add3A_34 = arith.constant 384 : i32
    %add3A_35 = arith.addi %mul3A_2, %add3A_34 : i32
    "tpu.region"() ({
      %run_scoped3A_36 = tpu.sem_alloc : memref<!tpu.dma_semaphore, #tpu.memory_space<semaphore_mem>>
      %dma_start3A_37 = arith.constant 0 : i32
      %dma_start3A_38 = tpu.memref_slice %arg4[%add3A_35, %dma_start3A_37] : memref<16384x128xf32, #tpu.memory_space<hbm>> -> memref<128x128xf32, #tpu.memory_space<hbm>>
      %dma_start3A_39 = arith.constant 0 : i32
      %dma_start3A_40 = tpu.memref_slice %arg4[%add3A_35, %dma_start3A_39] : memref<16384x128xf32, #tpu.memory_space<hbm>> -> memref<128x128xf32, #tpu.memory_space<hbm>>
      tpu.enqueue_dma source(%arg12 : memref<128x128xf32, #tpu.memory_space<vmem>>) target(%dma_start3A_40 : memref<128x128xf32, #tpu.memory_space<hbm>>) target_semaphore(%run_scoped3A_36 : memref<!tpu.dma_semaphore, #tpu.memory_space<semaphore_mem>>)
      %dma_wait3A_41 = arith.constant 0 : i32
      %dma_wait3A_42 = tpu.memref_slice %arg4[%add3A_35, %dma_wait3A_41] : memref<16384x128xf32, #tpu.memory_space<hbm>> -> memref<128x128xf32, #tpu.memory_space<hbm>>
      %dma_wait3A_43 = arith.constant 0 : i32
      %dma_wait3A_44 = tpu.memref_slice %arg4[%add3A_35, %dma_wait3A_43] : memref<16384x128xf32, #tpu.memory_space<hbm>> -> memref<128x128xf32, #tpu.memory_space<hbm>>
      tpu.wait_dma2 semaphore(%run_scoped3A_36 : memref<!tpu.dma_semaphore, #tpu.memory_space<semaphore_mem>>) src(%arg12 : memref<128x128xf32, #tpu.memory_space<vmem>>) dst(%dma_wait3A_44 : memref<128x128xf32, #tpu.memory_space<hbm>>)
      tpu.yield
    }) : () -> ()
    return
  }
}

module attributes {stable_mosaic.version = 14 : i64} {
  func.func @_nn_body(%arg0: i32, %arg1: memref<512x3xf32, #tpu.memory_space<vmem>>, %arg2: memref<3x5120xf32, #tpu.memory_space<vmem>>, %arg3: memref<1x5120xf32, #tpu.memory_space<vmem>>, %arg4: memref<1x4x128xi32, #tpu.memory_space<vmem>>, %arg5: memref<512x1xf32, #tpu.memory_space<vmem>>) attributes {dimension_semantics = [#tpu.dimension_semantics<arbitrary>], iteration_bounds = array<i64: 32>, scalar_prefetch = 0 : i64, scratch_operands = 0 : i64, tpu.core_type = #tpu.core_type<tc>, window_params = [{transform_indices = @transform_0, window_bounds = array<i64: 512, 3>}, {pipeline_mode = #tpu.pipeline_mode<synchronous>, transform_indices = @transform_1, window_bounds = array<i64: 3, 5120>}, {pipeline_mode = #tpu.pipeline_mode<synchronous>, transform_indices = @transform_2, window_bounds = array<i64: 1, 5120>}, {transform_indices = @transform_3, window_bounds = array<i64: 1, 4, 128>}, {transform_indices = @transform_4, window_bounds = array<i64: 512, 1>}]} {
    %get3A = arith.constant 0 : index
    %get3A_0 = arith.constant 0 : index
    %get3A_1 = vector.load %arg1[%get3A, %get3A_0] : memref<512x3xf32, #tpu.memory_space<vmem>>, vector<512x3xf32>
    %add3A = arith.constant 1.000000e+00 : f32
    %add3A_2 = vector.broadcast %add3A : f32 to vector<512x3xf32>
    %add3A_3 = arith.addf %get3A_1, %add3A_2 : vector<512x3xf32>
    %mul3A = arith.constant 5.000000e-01 : f32
    %mul3A_4 = vector.broadcast %mul3A : f32 to vector<512x3xf32>
    %mul3A_5 = arith.mulf %add3A_3, %mul3A_4 : vector<512x3xf32>
    %get3A_6 = arith.constant 0 : index
    %get3A_7 = arith.constant 0 : index
    %get3A_8 = vector.load %arg2[%get3A_6, %get3A_7] : memref<3x5120xf32, #tpu.memory_space<vmem>>, vector<3x5120xf32>
    %dot_general3A = arith.constant dense<0.000000e+00> : vector<512x5120xf32>
    %dot_general3A_9 = tpu.matmul %mul3A_5, %get3A_8, %dot_general3A {dimension_numbers = #tpu.dot_dimension_numbers<[1], [0], [0], [1], [0, 0, 1, 1], [], []>, transpose_lhs_hint = false} : vector<512x3xf32>, vector<3x5120xf32>, vector<512x5120xf32> -> vector<512x5120xf32>
    %get3A_10 = arith.constant 0 : index
    %get3A_11 = arith.constant 0 : index
    %get3A_12 = vector.load %arg3[%get3A_10, %get3A_11] : memref<1x5120xf32, #tpu.memory_space<vmem>>, vector<1x5120xf32>
    %add3A_13 = vector.broadcast %get3A_12 : vector<1x5120xf32> to vector<512x5120xf32>
    %add3A_14 = arith.addf %dot_general3A_9, %add3A_13 : vector<512x5120xf32>
    %reduce_min3A = arith.constant dense<0x7F800000> : vector<512xf32>
    %reduce_min3A_15 = vector.multi_reduction <minimumf>, %add3A_14, %reduce_min3A [1] : vector<512x5120xf32> to vector<512xf32>
    %argmin3A = tpu.reduce_index %add3A_14 {axis = 1 : i32, kind = #tpu.reduction_kind<arg_min>} : vector<512x5120xf32> -> vector<512xi32>
    %mul3A_16 = arith.mulf %mul3A_5, %mul3A_5 : vector<512x3xf32>
    %reduce_sum3A = arith.constant dense<0.000000e+00> : vector<512xf32>
    %reduce_sum3A_17 = vector.multi_reduction <add>, %mul3A_16, %reduce_sum3A [1] : vector<512x3xf32> to vector<512xf32>
    %reshape3A = vector.shape_cast %argmin3A : vector<512xi32> to vector<1x4x128xi32>
    %swap3A = arith.constant 0 : index
    %swap3A_18 = arith.constant 0 : index
    %swap3A_19 = arith.constant 0 : index
    %swap3A_20 = vector.load %arg4[%swap3A, %swap3A_18, %swap3A_19] : memref<1x4x128xi32, #tpu.memory_space<vmem>>, vector<1x4x128xi32>
    tpu.vector_store %arg4[%swap3A, %swap3A_18, %swap3A_19], %reshape3A {strides = array<i32>} : memref<1x4x128xi32, #tpu.memory_space<vmem>>, vector<1x4x128xi32>,
    %add3A_21 = arith.addf %reduce_sum3A_17, %reduce_min3A_15 : vector<512xf32>
    %max3A = arith.constant 0.000000e+00 : f32
    %max3A_22 = vector.broadcast %max3A : f32 to vector<512xf32>
    %max3A_23 = arith.maximumf %add3A_21, %max3A_22 : vector<512xf32>
    %sqrt3A = math.sqrt %max3A_23 : vector<512xf32>
    %broadcast_in_dim3A = vector.shape_cast %sqrt3A : vector<512xf32> to vector<512x1xf32>
    %swap3A_24 = arith.constant 0 : index
    %swap3A_25 = arith.constant 0 : index
    %swap3A_26 = vector.load %arg5[%swap3A_24, %swap3A_25] : memref<512x1xf32, #tpu.memory_space<vmem>>, vector<512x1xf32>
    tpu.vector_store %arg5[%swap3A_24, %swap3A_25], %broadcast_in_dim3A {strides = array<i32>} : memref<512x1xf32, #tpu.memory_space<vmem>>, vector<512x1xf32>,
    return
  }
  func.func @transform_0(%arg0: i32) -> (i32, i32) {
    %c0_i32 = arith.constant 0 : i32
    %c0_i32_0 = arith.constant 0 : i32
    return %arg0, %c0_i32 : i32, i32
  }
  func.func @transform_1(%arg0: i32) -> (i32, i32) {
    %c0_i32 = arith.constant 0 : i32
    %c0_i32_0 = arith.constant 0 : i32
    %c0_i32_1 = arith.constant 0 : i32
    return %c0_i32, %c0_i32_0 : i32, i32
  }
  func.func @transform_2(%arg0: i32) -> (i32, i32) {
    %c0_i32 = arith.constant 0 : i32
    %c0_i32_0 = arith.constant 0 : i32
    %c0_i32_1 = arith.constant 0 : i32
    return %c0_i32, %c0_i32_0 : i32, i32
  }
  func.func @transform_3(%arg0: i32) -> (i32, i32, i32) {
    %c0_i32 = arith.constant 0 : i32
    %c0_i32_0 = arith.constant 0 : i32
    %c0_i32_1 = arith.constant 0 : i32
    return %arg0, %c0_i32, %c0_i32_0 : i32, i32, i32
  }
  func.func @transform_4(%arg0: i32) -> (i32, i32) {
    %c0_i32 = arith.constant 0 : i32
    %c0_i32_0 = arith.constant 0 : i32
    return %arg0, %c0_i32 : i32, i32
  }
}

module attributes {stable_mosaic.version = 14 : i64} {
  func.func @_mlp_body(%arg0: i32, %arg1: memref<2048x3xf32, #tpu.memory_space<vmem>>, %arg2: memref<2048x128xf32, #tpu.memory_space<vmem>>, %arg3: memref<2048x1xf32, #tpu.memory_space<vmem>>, %arg4: memref<3x64xf32, #tpu.memory_space<vmem>>, %arg5: memref<128x64xf32, #tpu.memory_space<vmem>>, %arg6: memref<64x128xf32, #tpu.memory_space<vmem>>, %arg7: memref<64x128xf32, #tpu.memory_space<vmem>>, %arg8: memref<1x128xf32, #tpu.memory_space<vmem>>, %arg9: memref<128x128xf32, #tpu.memory_space<vmem>>, %arg10: memref<1x128xf32, #tpu.memory_space<vmem>>, %arg11: memref<128x8xf32, #tpu.memory_space<vmem>>, %arg12: memref<1x8xf32, #tpu.memory_space<vmem>>, %arg13: memref<1x1xf32, #tpu.memory_space<vmem>>, %arg14: memref<2048x3xf32, #tpu.memory_space<vmem>>, %arg15: memref<2048x1xf32, #tpu.memory_space<vmem>>) attributes {dimension_semantics = [#tpu.dimension_semantics<arbitrary>], iteration_bounds = array<i64: 8>, scalar_prefetch = 0 : i64, scratch_operands = 0 : i64, tpu.core_type = #tpu.core_type<tc>, window_params = [{transform_indices = @transform_0, window_bounds = array<i64: 2048, 3>}, {transform_indices = @transform_1, window_bounds = array<i64: 2048, 128>}, {transform_indices = @transform_2, window_bounds = array<i64: 2048, 1>}, {pipeline_mode = #tpu.pipeline_mode<synchronous>, transform_indices = @transform_3, window_bounds = array<i64: 3, 64>}, {pipeline_mode = #tpu.pipeline_mode<synchronous>, transform_indices = @transform_4, window_bounds = array<i64: 128, 64>}, {pipeline_mode = #tpu.pipeline_mode<synchronous>, transform_indices = @transform_5, window_bounds = array<i64: 64, 128>}, {pipeline_mode = #tpu.pipeline_mode<synchronous>, transform_indices = @transform_6, window_bounds = array<i64: 64, 128>}, {pipeline_mode = #tpu.pipeline_mode<synchronous>, transform_indices = @transform_7, window_bounds = array<i64: 1, 128>}, {pipeline_mode = #tpu.pipeline_mode<synchronous>, transform_indices = @transform_8, window_bounds = array<i64: 128, 128>}, {pipeline_mode = #tpu.pipeline_mode<synchronous>, transform_indices = @transform_9, window_bounds = array<i64: 1, 128>}, {pipeline_mode = #tpu.pipeline_mode<synchronous>, transform_indices = @transform_10, window_bounds = array<i64: 128, 8>}, {pipeline_mode = #tpu.pipeline_mode<synchronous>, transform_indices = @transform_11, window_bounds = array<i64: 1, 8>}, {pipeline_mode = #tpu.pipeline_mode<synchronous>, transform_indices = @transform_12, window_bounds = array<i64: 1, 1>}, {transform_indices = @transform_13, window_bounds = array<i64: 2048, 3>}, {transform_indices = @transform_14, window_bounds = array<i64: 2048, 1>}]} {
    %get3A = arith.constant 0 : index
    %get3A_0 = arith.constant 0 : index
    %get3A_1 = vector.load %arg1[%get3A, %get3A_0] : memref<2048x3xf32, #tpu.memory_space<vmem>>, vector<2048x3xf32>
    %add3A = arith.constant 1.000000e+00 : f32
    %add3A_2 = vector.broadcast %add3A : f32 to vector<2048x3xf32>
    %add3A_3 = arith.addf %get3A_1, %add3A_2 : vector<2048x3xf32>
    %mul3A = arith.constant 5.000000e-01 : f32
    %mul3A_4 = vector.broadcast %mul3A : f32 to vector<2048x3xf32>
    %mul3A_5 = arith.mulf %add3A_3, %mul3A_4 : vector<2048x3xf32>
    %get3A_6 = arith.constant 0 : index
    %get3A_7 = arith.constant 0 : index
    %get3A_8 = vector.load %arg3[%get3A_6, %get3A_7] : memref<2048x1xf32, #tpu.memory_space<vmem>>, vector<2048x1xf32>
    %exp3A = math.exp %get3A_8 : vector<2048x1xf32>
    %div3A = arith.constant 1.000000e+00 : f32
    %div3A_9 = vector.broadcast %div3A : f32 to vector<2048x1xf32>
    %div3A_10 = arith.divf %div3A_9, %exp3A : vector<2048x1xf32>
    %get3A_11 = arith.constant 0 : index
    %get3A_12 = arith.constant 0 : index
    %get3A_13 = vector.load %arg2[%get3A_11, %get3A_12] : memref<2048x128xf32, #tpu.memory_space<vmem>>, vector<2048x128xf32>
    %mul3A_14 = vector.broadcast %div3A_10 : vector<2048x1xf32> to vector<2048x128xf32>
    %mul3A_15 = arith.mulf %get3A_13, %mul3A_14 : vector<2048x128xf32>
    %get3A_16 = arith.constant 0 : index
    %get3A_17 = arith.constant 0 : index
    %get3A_18 = vector.load %arg4[%get3A_16, %get3A_17] : memref<3x64xf32, #tpu.memory_space<vmem>>, vector<3x64xf32>
    %dot_general3A = arith.constant dense<0.000000e+00> : vector<2048x64xf32>
    %dot_general3A_19 = tpu.matmul %mul3A_5, %get3A_18, %dot_general3A {dimension_numbers = #tpu.dot_dimension_numbers<[1], [0], [0], [1], [0, 0, 1, 1], [], []>, precision = #tpu.contract_precision<fp32>, transpose_lhs_hint = false} : vector<2048x3xf32>, vector<3x64xf32>, vector<2048x64xf32> -> vector<2048x64xf32>
    %get3A_20 = arith.constant 0 : index
    %get3A_21 = arith.constant 0 : index
    %get3A_22 = vector.load %arg5[%get3A_20, %get3A_21] : memref<128x64xf32, #tpu.memory_space<vmem>>, vector<128x64xf32>
    %dot_general3A_23 = arith.constant dense<0.000000e+00> : vector<2048x64xf32>
    %dot_general3A_24 = tpu.matmul %mul3A_15, %get3A_22, %dot_general3A_23 {dimension_numbers = #tpu.dot_dimension_numbers<[1], [0], [0], [1], [0, 0, 1, 1], [], []>, precision = #tpu.contract_precision<fp32>, transpose_lhs_hint = false} : vector<2048x128xf32>, vector<128x64xf32>, vector<2048x64xf32> -> vector<2048x64xf32>
    %add3A_25 = arith.addf %dot_general3A_19, %dot_general3A_24 : vector<2048x64xf32>
    %mul3A_26 = arith.constant 0.159154937 : f32
    %mul3A_27 = vector.broadcast %mul3A_26 : f32 to vector<2048x64xf32>
    %mul3A_28 = arith.mulf %add3A_25, %mul3A_27 : vector<2048x64xf32>
    %round3A = math.roundeven %mul3A_28 : vector<2048x64xf32>
    %mul3A_29 = arith.constant 6.281250e+00 : f32
    %mul3A_30 = vector.broadcast %mul3A_29 : f32 to vector<2048x64xf32>
    %mul3A_31 = arith.mulf %round3A, %mul3A_30 : vector<2048x64xf32>
    %sub3A = arith.subf %add3A_25, %mul3A_31 : vector<2048x64xf32>
    %mul3A_32 = arith.constant 0.00193530717 : f32
    %mul3A_33 = vector.broadcast %mul3A_32 : f32 to vector<2048x64xf32>
    %mul3A_34 = arith.mulf %round3A, %mul3A_33 : vector<2048x64xf32>
    %sub3A_35 = arith.subf %sub3A, %mul3A_34 : vector<2048x64xf32>
    %mul3A_36 = arith.mulf %sub3A_35, %sub3A_35 : vector<2048x64xf32>
    %broadcast_in_dim3A = arith.constant -7.58846436E-13 : f32
    %broadcast_in_dim3A_37 = vector.broadcast %broadcast_in_dim3A : f32 to vector<2048x64xf32>
    %mul3A_38 = arith.mulf %broadcast_in_dim3A_37, %mul3A_36 : vector<2048x64xf32>
    %add3A_39 = arith.constant 1.60534364E-10 : f32
    %add3A_40 = vector.broadcast %add3A_39 : f32 to vector<2048x64xf32>
    %add3A_41 = arith.addf %mul3A_38, %add3A_40 : vector<2048x64xf32>
    %mul3A_42 = arith.mulf %add3A_41, %mul3A_36 : vector<2048x64xf32>
    %add3A_43 = arith.constant -2.50517953E-8 : f32
    %add3A_44 = vector.broadcast %add3A_43 : f32 to vector<2048x64xf32>
    %add3A_45 = arith.addf %mul3A_42, %add3A_44 : vector<2048x64xf32>
    %mul3A_46 = arith.mulf %add3A_45, %mul3A_36 : vector<2048x64xf32>
    %add3A_47 = arith.constant 2.75573097E-6 : f32
    %add3A_48 = vector.broadcast %add3A_47 : f32 to vector<2048x64xf32>
    %add3A_49 = arith.addf %mul3A_46, %add3A_48 : vector<2048x64xf32>
    %mul3A_50 = arith.mulf %add3A_49, %mul3A_36 : vector<2048x64xf32>
    %add3A_51 = arith.constant -1.98412701E-4 : f32
    %add3A_52 = vector.broadcast %add3A_51 : f32 to vector<2048x64xf32>
    %add3A_53 = arith.addf %mul3A_50, %add3A_52 : vector<2048x64xf32>
    %mul3A_54 = arith.mulf %add3A_53, %mul3A_36 : vector<2048x64xf32>
    %add3A_55 = arith.constant 0.00833333377 : f32
    %add3A_56 = vector.broadcast %add3A_55 : f32 to vector<2048x64xf32>
    %add3A_57 = arith.addf %mul3A_54, %add3A_56 : vector<2048x64xf32>
    %mul3A_58 = arith.mulf %add3A_57, %mul3A_36 : vector<2048x64xf32>
    %add3A_59 = arith.constant -0.166666672 : f32
    %add3A_60 = vector.broadcast %add3A_59 : f32 to vector<2048x64xf32>
    %add3A_61 = arith.addf %mul3A_58, %add3A_60 : vector<2048x64xf32>
    %mul3A_62 = arith.mulf %add3A_61, %mul3A_36 : vector<2048x64xf32>
    %add3A_63 = arith.constant 1.000000e+00 : f32
    %add3A_64 = vector.broadcast %add3A_63 : f32 to vector<2048x64xf32>
    %add3A_65 = arith.addf %mul3A_62, %add3A_64 : vector<2048x64xf32>
    %mul3A_66 = arith.mulf %sub3A_35, %add3A_65 : vector<2048x64xf32>
    %broadcast_in_dim3A_67 = arith.constant -1.13600743E-11 : f32
    %broadcast_in_dim3A_68 = vector.broadcast %broadcast_in_dim3A_67 : f32 to vector<2048x64xf32>
    %mul3A_69 = arith.mulf %broadcast_in_dim3A_68, %mul3A_36 : vector<2048x64xf32>
    %add3A_70 = arith.constant 2.08661888E-9 : f32
    %add3A_71 = vector.broadcast %add3A_70 : f32 to vector<2048x64xf32>
    %add3A_72 = arith.addf %mul3A_69, %add3A_71 : vector<2048x64xf32>
    %mul3A_73 = arith.mulf %add3A_72, %mul3A_36 : vector<2048x64xf32>
    %add3A_74 = arith.constant -2.75567288E-7 : f32
    %add3A_75 = vector.broadcast %add3A_74 : f32 to vector<2048x64xf32>
    %add3A_76 = arith.addf %mul3A_73, %add3A_75 : vector<2048x64xf32>
    %mul3A_77 = arith.mulf %add3A_76, %mul3A_36 : vector<2048x64xf32>
    %add3A_78 = arith.constant 2.48015676E-5 : f32
    %add3A_79 = vector.broadcast %add3A_78 : f32 to vector<2048x64xf32>
    %add3A_80 = arith.addf %mul3A_77, %add3A_79 : vector<2048x64xf32>
    %mul3A_81 = arith.mulf %add3A_80, %mul3A_36 : vector<2048x64xf32>
    %add3A_82 = arith.constant -0.00138888881 : f32
    %add3A_83 = vector.broadcast %add3A_82 : f32 to vector<2048x64xf32>
    %add3A_84 = arith.addf %mul3A_81, %add3A_83 : vector<2048x64xf32>
    %mul3A_85 = arith.mulf %add3A_84, %mul3A_36 : vector<2048x64xf32>
    %add3A_86 = arith.constant 0.0416666679 : f32
    %add3A_87 = vector.broadcast %add3A_86 : f32 to vector<2048x64xf32>
    %add3A_88 = arith.addf %mul3A_85, %add3A_87 : vector<2048x64xf32>
    %mul3A_89 = arith.mulf %add3A_88, %mul3A_36 : vector<2048x64xf32>
    %add3A_90 = arith.constant -5.000000e-01 : f32
    %add3A_91 = vector.broadcast %add3A_90 : f32 to vector<2048x64xf32>
    %add3A_92 = arith.addf %mul3A_89, %add3A_91 : vector<2048x64xf32>
    %mul3A_93 = arith.mulf %add3A_92, %mul3A_36 : vector<2048x64xf32>
    %add3A_94 = arith.constant 1.000000e+00 : f32
    %add3A_95 = vector.broadcast %add3A_94 : f32 to vector<2048x64xf32>
    %add3A_96 = arith.addf %mul3A_93, %add3A_95 : vector<2048x64xf32>
    %get3A_97 = arith.constant 0 : index
    %get3A_98 = arith.constant 0 : index
    %get3A_99 = vector.load %arg6[%get3A_97, %get3A_98] : memref<64x128xf32, #tpu.memory_space<vmem>>, vector<64x128xf32>
    %dot_general3A_100 = arith.constant dense<0.000000e+00> : vector<2048x128xf32>
    %dot_general3A_101 = tpu.matmul %mul3A_66, %get3A_99, %dot_general3A_100 {dimension_numbers = #tpu.dot_dimension_numbers<[1], [0], [0], [1], [0, 0, 1, 1], [], []>, transpose_lhs_hint = false} : vector<2048x64xf32>, vector<64x128xf32>, vector<2048x128xf32> -> vector<2048x128xf32>
    %get3A_102 = arith.constant 0 : index
    %get3A_103 = arith.constant 0 : index
    %get3A_104 = vector.load %arg7[%get3A_102, %get3A_103] : memref<64x128xf32, #tpu.memory_space<vmem>>, vector<64x128xf32>
    %dot_general3A_105 = arith.constant dense<0.000000e+00> : vector<2048x128xf32>
    %dot_general3A_106 = tpu.matmul %add3A_96, %get3A_104, %dot_general3A_105 {dimension_numbers = #tpu.dot_dimension_numbers<[1], [0], [0], [1], [0, 0, 1, 1], [], []>, transpose_lhs_hint = false} : vector<2048x64xf32>, vector<64x128xf32>, vector<2048x128xf32> -> vector<2048x128xf32>
    %add3A_107 = arith.addf %dot_general3A_101, %dot_general3A_106 : vector<2048x128xf32>
    %get3A_108 = arith.constant 0 : index
    %get3A_109 = arith.constant 0 : index
    %get3A_110 = vector.load %arg8[%get3A_108, %get3A_109] : memref<1x128xf32, #tpu.memory_space<vmem>>, vector<1x128xf32>
    %add3A_111 = vector.broadcast %get3A_110 : vector<1x128xf32> to vector<2048x128xf32>
    %add3A_112 = arith.addf %add3A_107, %add3A_111 : vector<2048x128xf32>
    %max3A = arith.constant 0.000000e+00 : f32
    %max3A_113 = vector.broadcast %max3A : f32 to vector<2048x128xf32>
    %max3A_114 = arith.maximumf %add3A_112, %max3A_113 : vector<2048x128xf32>
    %get3A_115 = arith.constant 0 : index
    %get3A_116 = arith.constant 0 : index
    %get3A_117 = vector.load %arg9[%get3A_115, %get3A_116] : memref<128x128xf32, #tpu.memory_space<vmem>>, vector<128x128xf32>
    %dot_general3A_118 = arith.constant dense<0.000000e+00> : vector<2048x128xf32>
    %dot_general3A_119 = tpu.matmul %max3A_114, %get3A_117, %dot_general3A_118 {dimension_numbers = #tpu.dot_dimension_numbers<[1], [0], [0], [1], [0, 0, 1, 1], [], []>, transpose_lhs_hint = false} : vector<2048x128xf32>, vector<128x128xf32>, vector<2048x128xf32> -> vector<2048x128xf32>
    %get3A_120 = arith.constant 0 : index
    %get3A_121 = arith.constant 0 : index
    %get3A_122 = vector.load %arg10[%get3A_120, %get3A_121] : memref<1x128xf32, #tpu.memory_space<vmem>>, vector<1x128xf32>
    %add3A_123 = vector.broadcast %get3A_122 : vector<1x128xf32> to vector<2048x128xf32>
    %add3A_124 = arith.addf %dot_general3A_119, %add3A_123 : vector<2048x128xf32>
    %max3A_125 = arith.constant 0.000000e+00 : f32
    %max3A_126 = vector.broadcast %max3A_125 : f32 to vector<2048x128xf32>
    %max3A_127 = arith.maximumf %add3A_124, %max3A_126 : vector<2048x128xf32>
    %get3A_128 = arith.constant 0 : index
    %get3A_129 = arith.constant 0 : index
    %get3A_130 = vector.load %arg11[%get3A_128, %get3A_129] : memref<128x8xf32, #tpu.memory_space<vmem>>, vector<128x8xf32>
    %dot_general3A_131 = arith.constant dense<0.000000e+00> : vector<2048x8xf32>
    %dot_general3A_132 = tpu.matmul %max3A_127, %get3A_130, %dot_general3A_131 {dimension_numbers = #tpu.dot_dimension_numbers<[1], [0], [0], [1], [0, 0, 1, 1], [], []>, transpose_lhs_hint = false} : vector<2048x128xf32>, vector<128x8xf32>, vector<2048x8xf32> -> vector<2048x8xf32>
    %get3A_133 = arith.constant 0 : index
    %get3A_134 = arith.constant 0 : index
    %get3A_135 = vector.load %arg12[%get3A_133, %get3A_134] : memref<1x8xf32, #tpu.memory_space<vmem>>, vector<1x8xf32>
    %add3A_136 = vector.broadcast %get3A_135 : vector<1x8xf32> to vector<2048x8xf32>
    %add3A_137 = arith.addf %dot_general3A_132, %add3A_136 : vector<2048x8xf32>
    %get3A_138 = arith.constant 0 : index
    %get3A_139 = arith.constant 0 : index
    %get3A_140 = vector.load %arg13[%get3A_138, %get3A_139] : memref<1x1xf32, #tpu.memory_space<vmem>>, vector<1x1xf32>
    %get3A_141 = vector.extract %get3A_140[0, 0] : f32 from vector<1x1xf32>
    %le3A = vector.broadcast %get3A_141 : f32 to vector<2048x1xf32>
    %le3A_142 = arith.cmpf ole, %get3A_8, %le3A : vector<2048x1xf32>
    %convert_element_type3A = arith.extui %le3A_142 : vector<2048x1xi1> to vector<2048x1xi32>
    %convert_element_type3A_143 = arith.sitofp %convert_element_type3A : vector<2048x1xi32> to vector<2048x1xf32>
    %slice3A = vector.extract_strided_slice %add3A_137 {offsets = [0, 0], sizes = [2048, 3], strides = [1, 1]} : vector<2048x8xf32> to vector<2048x3xf32>
    %slice3A_144 = vector.extract_strided_slice %mul3A_15 {offsets = [0, 0], sizes = [2048, 3], strides = [1, 1]} : vector<2048x128xf32> to vector<2048x3xf32>
    %add3A_145 = arith.addf %slice3A, %slice3A_144 : vector<2048x3xf32>
    %mul3A_146 = vector.broadcast %convert_element_type3A_143 : vector<2048x1xf32> to vector<2048x3xf32>
    %mul3A_147 = arith.mulf %add3A_145, %mul3A_146 : vector<2048x3xf32>
    %add3A_148 = arith.addf %mul3A_5, %mul3A_147 : vector<2048x3xf32>
    %swap3A = arith.constant 0 : index
    %swap3A_149 = arith.constant 0 : index
    %swap3A_150 = vector.load %arg14[%swap3A, %swap3A_149] : memref<2048x3xf32, #tpu.memory_space<vmem>>, vector<2048x3xf32>
    tpu.vector_store %arg14[%swap3A, %swap3A_149], %add3A_148 {strides = array<i32>} : memref<2048x3xf32, #tpu.memory_space<vmem>>, vector<2048x3xf32>,
    %slice3A_151 = vector.extract_strided_slice %add3A_137 {offsets = [0, 3], sizes = [2048, 1], strides = [1, 1]} : vector<2048x8xf32> to vector<2048x1xf32>
    %logistic3A = arith.negf %slice3A_151 : vector<2048x1xf32>
    %logistic3A_152 = math.exp %logistic3A : vector<2048x1xf32>
    %logistic3A_153 = arith.constant 1.000000e+00 : f32
    %logistic3A_154 = vector.broadcast %logistic3A_153 : f32 to vector<2048x1xf32>
    %logistic3A_155 = arith.addf %logistic3A_154, %logistic3A_152 : vector<2048x1xf32>
    %logistic3A_156 = arith.divf %logistic3A_154, %logistic3A_155 : vector<2048x1xf32>
    %swap3A_157 = arith.constant 0 : index
    %swap3A_158 = arith.constant 0 : index
    %swap3A_159 = vector.load %arg15[%swap3A_157, %swap3A_158] : memref<2048x1xf32, #tpu.memory_space<vmem>>, vector<2048x1xf32>
    tpu.vector_store %arg15[%swap3A_157, %swap3A_158], %logistic3A_156 {strides = array<i32>} : memref<2048x1xf32, #tpu.memory_space<vmem>>, vector<2048x1xf32>,
    return
  }
  func.func @transform_0(%arg0: i32) -> (i32, i32) {
    %c0_i32 = arith.constant 0 : i32
    %c0_i32_0 = arith.constant 0 : i32
    return %arg0, %c0_i32 : i32, i32
  }
  func.func @transform_1(%arg0: i32) -> (i32, i32) {
    %c0_i32 = arith.constant 0 : i32
    %c0_i32_0 = arith.constant 0 : i32
    return %arg0, %c0_i32 : i32, i32
  }
  func.func @transform_2(%arg0: i32) -> (i32, i32) {
    %c0_i32 = arith.constant 0 : i32
    %c0_i32_0 = arith.constant 0 : i32
    return %arg0, %c0_i32 : i32, i32
  }
  func.func @transform_3(%arg0: i32) -> (i32, i32) {
    %c0_i32 = arith.constant 0 : i32
    %c0_i32_0 = arith.constant 0 : i32
    %c0_i32_1 = arith.constant 0 : i32
    return %c0_i32, %c0_i32_0 : i32, i32
  }
  func.func @transform_4(%arg0: i32) -> (i32, i32) {
    %c0_i32 = arith.constant 0 : i32
    %c0_i32_0 = arith.constant 0 : i32
    %c0_i32_1 = arith.constant 0 : i32
    return %c0_i32, %c0_i32_0 : i32, i32
  }
  func.func @transform_5(%arg0: i32) -> (i32, i32) {
    %c0_i32 = arith.constant 0 : i32
    %c0_i32_0 = arith.constant 0 : i32
    %c0_i32_1 = arith.constant 0 : i32
    return %c0_i32, %c0_i32_0 : i32, i32
  }
  func.func @transform_6(%arg0: i32) -> (i32, i32) {
    %c0_i32 = arith.constant 0 : i32
    %c0_i32_0 = arith.constant 0 : i32
    %c0_i32_1 = arith.constant 0 : i32
    return %c0_i32, %c0_i32_0 : i32, i32
  }
  func.func @transform_7(%arg0: i32) -> (i32, i32) {
    %c0_i32 = arith.constant 0 : i32
    %c0_i32_0 = arith.constant 0 : i32
    %c0_i32_1 = arith.constant 0 : i32
    return %c0_i32, %c0_i32_0 : i32, i32
  }
  func.func @transform_8(%arg0: i32) -> (i32, i32) {
    %c0_i32 = arith.constant 0 : i32
    %c0_i32_0 = arith.constant 0 : i32
    %c0_i32_1 = arith.constant 0 : i32
    return %c0_i32, %c0_i32_0 : i32, i32
  }
  func.func @transform_9(%arg0: i32) -> (i32, i32) {
    %c0_i32 = arith.constant 0 : i32
    %c0_i32_0 = arith.constant 0 : i32
    %c0_i32_1 = arith.constant 0 : i32
    return %c0_i32, %c0_i32_0 : i32, i32
  }
  func.func @transform_10(%arg0: i32) -> (i32, i32) {
    %c0_i32 = arith.constant 0 : i32
    %c0_i32_0 = arith.constant 0 : i32
    %c0_i32_1 = arith.constant 0 : i32
    return %c0_i32, %c0_i32_0 : i32, i32
  }
  func.func @transform_11(%arg0: i32) -> (i32, i32) {
    %c0_i32 = arith.constant 0 : i32
    %c0_i32_0 = arith.constant 0 : i32
    %c0_i32_1 = arith.constant 0 : i32
    return %c0_i32, %c0_i32_0 : i32, i32
  }
  func.func @transform_12(%arg0: i32) -> (i32, i32) {
    %c0_i32 = arith.constant 0 : i32
    %c0_i32_0 = arith.constant 0 : i32
    %c0_i32_1 = arith.constant 0 : i32
    return %c0_i32, %c0_i32_0 : i32, i32
  }
  func.func @transform_13(%arg0: i32) -> (i32, i32) {
    %c0_i32 = arith.constant 0 : i32
    %c0_i32_0 = arith.constant 0 : i32
    return %arg0, %c0_i32 : i32, i32
  }
  func.func @transform_14(%arg0: i32) -> (i32, i32) {
    %c0_i32 = arith.constant 0 : i32
    %c0_i32_0 = arith.constant 0 : i32
    return %arg0, %c0_i32 : i32, i32
  }
}

</mosaic_0001>

<sc_bundles>
// kernel: kernel.5.cloned.1.call-start
scs
__scs_entry_jumppad:
0x0: {  	(pc) =	sbr.rel $0x88, $3  }
0x1: {  	(tag) =	ssettag $0x0;
	lr =	simm.s32 $0x1  }
0x2: {  	[smem:$0x3F98] =	sst lr;
	_ =	strace $0xD0000000  }
0x3: {  	_ = 	snop  }
0x4: {  	_ = 	snop  }
0x5: {  	_ = 	snop  }
0x6: {  	_ = 	snop  }
0x7: {  	_ = 	snop  }
__scs_overlays_trampoline_lowered:
0x8: {  	[smem:$0x3FA7] =	sst s0  }
0x9: {  	[smem:$0x3FA8] =	sst s1  }
0xa: {  	[smem:$0x3FA9] =	sst s2  }
0xb: {  	[smem:$0x3FAA] =	sst s3  }
0xc: {  	[smem:$0x3FAB] =	sst s4  }
0xd: {  	[smem:$0x3FAC] =	sst s5  }
0xe: {  	[smem:$0x3FAD] =	sst s6  }
0xf: {  	[smem:$0x3FAE] =	sst s7  }
0x10: {  	[smem:$0x3FAF] =	sst s8  }
0x11: {  	[smem:$0x3FB0] =	sst s9;
	s0 =	simm.s32 @!p0 $0x0  }
0x12: {  	s1 =	sld [smem:$0x3F96];
	s0 =	simm.s32 @p0 $0x1  }
0x13: {  	[smem:$0x3FB1] =	sst s0;
	s0 =	simm.s32 @!p1 $0x0  }
0x14: {  	s2 =	sld [smem:$0x3F95];
	s0 =	simm.s32 @p1 $0x1  }
0x15: {  	[smem:$0x3FB2] =	sst s0;
	s0 =	simm.s32 @!p2 $0x0  }
0x16: {  	s3 =	sld [smem:$0x3FDB];
	s0 =	simm.s32 @p2 $0x1  }
0x17: {  	s4 =	simm.s32 $0x1BF5;
	[smem:$0x3FB4] =	sst s0  }
0x18: {  	s0 =	sld [smem:$0x3F97];
	_ =	swait.ge [sflag:s4], $0x0  }
0x19: {  	s7 =	sld [smem:$0x3F98]  }
0x1a: {  	s8 =	sadd.s32 $0xFFFFE003, lr  }
0x1b: {  	s9 =	sadd.s32 $0xFFFFFEF7, lr;
	s5 =	simm.s32 $0xFFFFFFFF;
	p2 =	slt.u32 s8, $0xFFFFF086  }
0x1c: {  	p1 =	slt.u32 s9, $0xF7A;
	s5 =	simm.s32 @!p2 $0x0  }
0x1d: {  	s5 =	simm.s32 @p1 $0x1;
	p0 =	seq.s32 s7, s2  }
0x1e: {  	s7 =	smul.u32 @!p0 $0xF7A, s2;
	p2 =	seq.s32 @!p0 s5, $0x0  }
0x1f: {  	s9 =	smul.u32 $0xF7A, s1;
	s8 =	simm.s32 @!p0 $0x1BF5;
	p2 =	por !p2, p0  }
0x20: {  	[sflag:s8] =	ssyncset.s32 @!p0 $0xFFFFF086;
	s6 =	sadd.s32 @!p0 s3, s7;
	s7 =	simm.s32 @!p0 $0x108  }
0x21: {  	s3 =	sadd.s32 s3, s9;
	s6 =	sadd.s32 @!p0 $0x88, s6;
	s7 =	simm.s32 @p2 $0x1082  }
0x22: {  	[simem:s7], [sflag:s8] =	dma.local @!p0 [hbm:s6], $0xF7A  }
0x23: {  	s9 =	sor.u32 $0xD0000000, s2;
	s6 =	simm.s32 $0x108;
	_ =	swait.ge @!p0 [sflag:s8], $0x0  }
0x24: {  	s3 =	sadd.s32 $0x88, s3;
	s6 =	simm.s32 @!p1 $0x1082;
	[sflag:s4] =	ssyncset.s32 $0xFFFFF086  }
0x25: {  	[simem:s6], [sflag:s4] =	dma.local [hbm:s3], $0xF7A  }
0x26: {  	[smem:$0x3F98] =	sst s1;
	(tag) =	ssettag s2;
	_ =	strace s9  }
0x27: {  	s1 =	sld [smem:$0x3FA8]  }
0x28: {  	s2 =	sld [smem:$0x3FA9]  }
0x29: {  	s4 =	sld [smem:$0x3FAB]  }
0x2a: {  	p0 =	seq.s32 s5, $0x0;
	s5 =	sld [smem:$0x3FAC]  }
0x2b: {  	s6 =	sld [smem:$0x3FAD]  }
0x2c: {  	s7 =	sld [smem:$0x3FAE]  }
0x2d: {  	s3 =	simm.s32 $0x108;
	s8 =	sld [smem:$0x3FAF]  }
0x2e: {  	s3 =	simm.s32 @!p0 $0x1082;
	s9 =	sld [smem:$0x3FB0]  }
0x2f: {  	lr =	sadd.s32 s0, s3;
	s0 =	sld [smem:$0x3FA7]  }
0x30: {  	s3 =	sld [smem:$0x3FAA]  }
0x31: {  	[smem:$0x3FB3] =	sst s10  }
0x32: {  	s10 =	sld [smem:$0x3FB1];
	_ =	sdelay $0x3  }
0x33: {  	p0 =	seq.s32 s10, $0x1;
	s10 =	sld [smem:$0x3FB3];
	_ =	sdelay $0x3  }
0x34: {  	[smem:$0x3FB3] =	sst s10  }
0x35: {  	s10 =	sld [smem:$0x3FB2];
	_ =	sdelay $0x3  }
0x36: {  	p1 =	seq.s32 s10, $0x1;
	s10 =	sld [smem:$0x3FB3];
	_ =	sdelay $0x3  }
0x37: {  	[smem:$0x3FB3] =	sst s10  }
0x38: {  	s10 =	sld [smem:$0x3FB4]  }
0x39: {  	_ = 	snop;
	(pc) =	sbr.ind lr, $3  }
0x3a: {  	_ = 	snop  }
0x3b: {  	_ = 	snop  }
0x3c: {  	p2 =	seq.s32 s10, $0x1;
	s10 =	sld [smem:$0x3FB3]  }
0x3d: {  	_ =	shalt  }
0x3e: {  	_ =	shalt  }
0x3f: {  	_ =	shalt  }
0x40: {  	_ =	shalt  }
0x41: {  	_ =	shalt  }
0x42: {  	_ =	shalt  }
0x43: {  	_ =	shalt  }
0x44: {  	_ =	shalt  }
0x45: {  	_ =	shalt  }
0x46: {  	_ =	shalt  }
0x47: {  	_ =	shalt  }
0x48: {  	_ =	shalt  }
0x49: {  	_ =	shalt  }
0x4a: {  	_ =	shalt  }
0x4b: {  	_ =	shalt  }
0x4c: {  	_ =	shalt  }
0x4d: {  	_ =	shalt  }
0x4e: {  	_ =	shalt  }
0x4f: {  	_ =	shalt  }
0x50: {  	_ =	shalt  }
0x51: {  	_ =	shalt  }
0x52: {  	_ =	shalt  }
0x53: {  	_ =	shalt  }
0x54: {  	_ =	shalt  }
0x55: {  	_ =	shalt  }
0x56: {  	_ =	shalt  }
0x57: {  	_ =	shalt  }
0x58: {  	_ =	shalt  }
0x59: {  	_ =	shalt  }
0x5a: {  	_ =	shalt  }
0x5b: {  	_ =	shalt  }
0x5c: {  	_ =	shalt  }
0x5d: {  	_ =	shalt  }
0x5e: {  	_ =	shalt  }
0x5f: {  	_ =	shalt  }
0x60: {  	_ =	shalt  }
0x61: {  	_ =	shalt  }
0x62: {  	_ =	shalt  }
0x63: {  	_ =	shalt  }
0x64: {  	_ =	shalt  }
0x65: {  	_ =	shalt  }
0x66: {  	_ =	shalt  }
0x67: {  	_ =	shalt  }
0x68: {  	_ =	shalt  }
0x69: {  	_ =	shalt  }
0x6a: {  	_ =	shalt  }
0x6b: {  	_ =	shalt  }
0x6c: {  	_ =	shalt  }
0x6d: {  	_ =	shalt  }
0x6e: {  	_ =	shalt  }
0x6f: {  	_ =	shalt  }
0x70: {  	_ =	shalt  }
0x71: {  	_ =	shalt  }
0x72: {  	_ =	shalt  }
0x73: {  	_ =	shalt  }
0x74: {  	_ =	shalt  }
0x75: {  	_ =	shalt  }
0x76: {  	_ =	shalt  }
0x77: {  	_ =	shalt  }
0x78: {  	_ =	shalt  }
0x79: {  	_ =	shalt  }
0x7a: {  	_ =	shalt  }
0x7b: {  	_ =	shalt  }
0x7c: {  	_ =	shalt  }
0x7d: {  	_ =	shalt  }
0x7e: {  	_ =	shalt  }
0x7f: {  	_ =	shalt  }
0x80: {  	_ =	shalt  }
0x81: {  	_ =	shalt  }
0x82: {  	_ =	shalt  }
0x83: {  	_ =	shalt  }
0x84: {  	_ =	shalt  }
0x85: {  	_ =	shalt  }
0x86: {  	_ =	shalt  }
0x87: {  	_ =	shalt  }
.Lfunc_end0:
.L_simem_size_0:
called_computation_lowered:
.L_overlay_start_0:
0x88: {  	s2 =	sld [smem:$0x3FD9]  }
0x89: {  	s3 =	sld [smem:$0x3FFE];
	_ =	sdelay $0x1  }
0x8a: {  	s1 =	srdreg.scid  }
0x8b: {  	s0 =	sand.u32 $0x1, s1  }
0x8c: {  	s14 =	sshll.u32 s0, $0xA;
	s2 =	sadd.s32 s3, s2  }
0x8d: {  	s2 =	sadd.s32 s2, s14  }
0x8e: {  	[smem:$0x3FBF] =	sst s2  }
0x8f: {  	_ = 	snop  }
0x90: {  	s2 =	sld [smem:$0x3FD0];
	_ =	sdelay $0x2  }
0x91: {  	s15 =	simm.s32 $0xA;
	s4 =	simm.s32 $0x10  }
0x92: {  	[smem:s4], [sflag:s15] =	dma.local [hbm:s2], $0x1  }
0x93: {  	_ =	swait.eq [sflag:s15], $0x1  }
0x94: {  	[sflag:s15] =	ssyncset.done $0x0  }
0x95: {  	[sflag:s15] =	ssyncadd.s32 $0xFFFFFFFF  }
0x96: {  	s16 =	sld [smem:$0x11];
	(tm) =	ssettm $0x1  }
0x97: {  	s17 =	sld [smem:$0x3FFB];
	_ =	sdelay $0x3  }
0x98: {  	_ =	strace s17  }
0x99: {  	s3 =	sld [smem:$0x3FFC];
	_ =	sdelay $0x3  }
0x9a: {  	_ =	strace s3  }
0x9b: {  	s3 =	sld [smem:$0x3FFD];
	_ =	sdelay $0x3  }
0x9c: {  	_ =	strace s3  }
0x9d: {  	_ =	strace $0x8FFFFFFF  }
0x9e: {  	s18 =	sld [smem:$0x3FDB];
	_ =	sdelay $0x1  }
0x9f: {  	s19 =	simm.s32 $_scs_section_size  }
0xa0: {  	s5 =	simm.s32 $_size__tile_overlayer_lowered;
	s6 =	simm.s32 $_tile_overlayer_lowered  }
0xa1: {  	s22 =	simm.s32 $0x1BFF;
	s21 =	sshll.u32 s6, $0x1;
	s3 =	sadd.s32 s19, s18  }
0xa2: {  	s7 =	simm.s32 $0x0;
	s20 =	sshll.u32 s5, $0x1;
	s5 =	sadd.s32 s21, s3  }
0xa3: {  	[timem:s7], [sflag:s22] =	dma.local [hbm:s5], s20  }
0xa4: {  	_ =	swait.ge [sflag:s22], s20  }
0xa5: {  	s4 =	ssub.s32 $0x0, s20;
	[sflag:s22] =	ssyncset.done $0x0  }
0xa6: {  	[sflag:s22] =	ssyncadd.s32 s4;
	_ =	sdelay $0x1  }
0xa7: {  	s23 =	simm.s32 $0x1B8B  }
0xa8: {  	_ =	swait.ge [sflag:s23], $0x1  }
0xa9: {  	[sflag:s23] =	ssyncset.done $0x0  }
0xaa: {  	s25 =	simm.s32 $0x1B8E;
	s24 =	sld [smem:$0x3FFE];
	[sflag:s23] =	ssyncadd.s32 $0xFFFFFFFF  }
0xab: {  	s26 =	simm.s32 $execute0_lowered;
	[smem:$0x3FD2] =	sst s25  }
0xac: {  	s5 =	sshll.u32 s26, $0x1;
	_ =	strace $0x80000046;
	[dreg:$0x1] =	wrdreg $0xFFFFFFFF  }
0xad: {  	s28 =	simm.s32 $_size_execute0_lowered;
	s3 =	sadd.s32 s3, s5;
	[dreg:$0x0] =	wrdreg $0x0  }
0xae: {  	s5 =	sshll.u32 s28, $0x1;
	[dreg:$0x2] =	wrdreg s3  }
0xaf: {  	[dreg:$0x3] =	wrdreg s5  }
0xb0: {  	[dreg:$0x4] =	wrdreg $0xC0  }
0xb1: {  	_ =	task [dreg:s7], $0x5FFFF  }
0xb2: {  	[dreg:$0x1] =	wrdreg $0xFFFFFFFF  }
0xb3: {  	[dreg:$0x0] =	wrdreg $0x60  }
0xb4: {  	[dreg:$0x2] =	wrdreg s24  }
0xb5: {  	[dreg:$0x3] =	wrdreg s16  }
0xb6: {  	[dreg:$0x4] =	wrdreg $0x9  }
0xb7: {  	_ =	task.clear_ibuf [dreg:s7], $0x5FFFF;
	_ =	strace $0x90000046  }
0xb8: {  	s29 =	simm.s32 $0x9;
	_ =	strace $0x80000048  }
0xb9: {  	_ =	swait.ge [sflag:s29], $0x1  }
0xba: {  	[sflag:s29] =	ssyncadd.s32 $0xFFFFFFFF  }
0xbb: {  	_ =	strace $0x90000048  }
0xbc: {  	_ =	sfence  }
0xbd: {  	s30 =	sld [smem:$0x0];
	_ =	sdelay $0x2  }
0xbe: {  	s31 =	sshll.u32 s1, $0xD;
	s1 =	sshrl.u32 s1, $0x2  }
0xbf: {  	s3 =	sand.u32 $0x4000, s31;
	s1 =	sadd.s32 s1, s30  }
0xc0: {  	s0 =	sor.u32 s3, s0;
	s1 =	sshll.u32 s1, $0x11  }
0xc1: {  	s0 =	sor.u32 s1, s0  }
0xc2: {  	s0 =	sadd.s32 $0x8F2B, s0  }
0xc3: {  	[sflag:s0] =	ssyncadd.remote.s32 $0x1  }
0xc4: {  	_ =	sfence.sel $0xFFFF  }
0xc5: {  	[dreg:$0x0] =	wrdreg $0xFFFFFFFF;
	(pc) =	sbr.abs _section_cstart, $3  }
0xc6: {  	[dreg:$0x1] =	wrdreg $0xFFFFFFFF  }
0xc7: {  	_ =	task.clear_ibuf [dreg:s7], $0x2FFFF;
	_ =	strace $0x9FFFFFFF  }
0xc8: {  	(tm) =	ssettm $0x7FFFFFFF  }
0xc9: {  	_ =	shalt  }
tec
execute0_lowered:
.L_overlay_start_1:
0x0: {  	(tag) =	ssettag $0x1  }
0x1: {  	s1 =	srdreg.scid  }
0x2: {  	s17 =	rddreg [dreg:$0x0];
	s0 =	stileid.u32;
	s22 =	sand.u32 $0x1, s1  }
0x3: {  	s9 =	rddreg [dreg:$0x1];
	s3 =	sshll.u32 s0, $0xA;
	s4 =	sshll.u32 s22, $0x9  }
0x4: {  	s2 =	simm.s32 $0x0;
	s1 =	rddreg [dreg:$0x2];
	s18 =	sor.u32 s4, s3  }
0x5: {  	[smem:$0x7FF] =	sst s2;
	s3 =	sshrl.u32 s18, $0x3  }
0x6: {  	_ =	strace $0x80000047;
	s4 =	sadd.s32 s9, s3;
	s3 =	simm.s32 $0x5  }
0x7: {  	[tilespmem:s2], [sflag:$0x5] =	stream.linear.gather [hbm4b:s4+s2], $0x80, $0x38;
	[tilespmem:$0x10200] =	vst v63  }
0x8: {  	s19 =	sor.u32 $0x80, s18;
	_ =	swait.ge [sflag:s3], $0x80  }
0x9: {  	s5 =	sshrl.u32 s19, $0x3;
	[sflag:s3] =	ssyncset.done $0x0  }
0xa: {  	s6 =	simm.s32 $0x80;
	s5 =	sadd.s32 s9, s5;
	[sflag:s3] =	ssyncadd.s32 $0xFFFFFF80  }
0xb: {  	[tilespmem:s6], [sflag:$0x5] =	stream.linear.gather [hbm4b:s5+s2], $0x80, $0x38;
	[tilespmem:$0x10200] =	vst v63  }
0xc: {  	s21 =	sor.u32 $0x100, s18;
	_ =	swait.ge [sflag:s3], $0x80  }
0xd: {  	s7 =	sshrl.u32 s21, $0x3;
	[sflag:s3] =	ssyncset.done $0x0  }
0xe: {  	s8 =	simm.s32 $0x100;
	s7 =	sadd.s32 s9, s7;
	[sflag:s3] =	ssyncadd.s32 $0xFFFFFF80  }
0xf: {  	[tilespmem:s8], [sflag:$0x5] =	stream.linear.gather [hbm4b:s7+s2], $0x80, $0x38;
	[tilespmem:$0x10200] =	vst v63  }
0x10: {  	s23 =	sor.u32 $0x180, s18;
	_ =	swait.ge [sflag:s3], $0x80  }
0x11: {  	s10 =	sshrl.u32 s23, $0x3;
	[sflag:s3] =	ssyncset.done $0x0  }
0x12: {  	s9 =	sadd.s32 s9, s10;
	s10 =	simm.s32 $0x180;
	[sflag:s3] =	ssyncadd.s32 $0xFFFFFF80  }
0x13: {  	[tilespmem:s10], [sflag:$0x5] =	stream.linear.gather [hbm4b:s9+s2], $0x80, $0x38;
	[tilespmem:$0x10200] =	vst v63  }
0x14: {  	_ =	swait.ge [sflag:s3], $0x80  }
0x15: {  	[sflag:s3] =	ssyncset.done $0x0  }
0x16: {  	s12 =	simm.s32 $0x200;
	s11 =	sadd.s32 $0xA00, s17;
	[sflag:s3] =	ssyncadd.s32 $0xFFFFFF80  }
0x17: {  	[tilespmem:s12], [sflag:$0x1] =	stream.indirect.gather [hbm4b:s11+s6], $0x80, s2, s6, $0xb8;
	[tilespmem:$0x10200] =	vst v63  }
0x18: {  	s13 =	simm.s32 $0x4200  }
0x19: {  	[tilespmem:s13], [sflag:$0x2] =	stream.indirect.gather [hbm4b:s11+s6], $0x80, s6, s6, $0xb8;
	[tilespmem:$0x10200] =	vst v63  }
0x1a: {  	s14 =	simm.s32 $0x8200  }
0x1b: {  	[tilespmem:s14], [sflag:$0x3] =	stream.indirect.gather [hbm4b:s11+s6], $0x80, s8, s6, $0xb8;
	[tilespmem:$0x10200] =	vst v63  }
0x1c: {  	s15 =	simm.s32 $0xC200;
	s16 =	simm.s32 $0x1  }
0x1d: {  	[tilespmem:s15], [sflag:$0x4] =	stream.indirect.gather [hbm4b:s11+s6], $0x80, s10, s6, $0xb8;
	[tilespmem:$0x10200] =	vst v63  }
0x1e: {  	_ =	swait.ge [sflag:s16], $0x4000  }
0x1f: {  	s24 =	sadd.s32 $0x94A00, s17;
	s30 =	sshll.u32 s18, $0x4;
	[sflag:s16] =	ssyncset.done $0x0  }
0x20: {  	s17 =	sadd.s32 s24, s30;
	[sflag:s16] =	ssyncadd.s32 $0xFFFFC000  }
0x21: {  	[hbm4b:s17+s2] =	stream.linear.scatter [tilespmem:s12], [sflag:$0x5], $0x4000, $0x38;
	[tilespmem:$0x10200] =	vst v63  }
0x22: {  	_ =	swait.ge [sflag:s3], $0x4000  }
0x23: {  	[sflag:s3] =	ssyncset.done $0x0  }
0x24: {  	s18 =	simm.s32 $0x2;
	[sflag:s3] =	ssyncadd.s32 $0xFFFFC000  }
0x25: {  	_ =	swait.ge [sflag:s18], $0x4000  }
0x26: {  	s19 =	sshll.u32 s19, $0x4;
	[sflag:s18] =	ssyncset.done $0x0  }
0x27: {  	s19 =	sadd.s32 s24, s19;
	[sflag:s18] =	ssyncadd.s32 $0xFFFFC000  }
0x28: {  	[hbm4b:s19+s2] =	stream.linear.scatter [tilespmem:s13], [sflag:$0x5], $0x4000, $0x38;
	[tilespmem:$0x10200] =	vst v63  }
0x29: {  	_ =	swait.ge [sflag:s3], $0x4000  }
0x2a: {  	[sflag:s3] =	ssyncset.done $0x0  }
0x2b: {  	s20 =	simm.s32 $0x3;
	[sflag:s3] =	ssyncadd.s32 $0xFFFFC000  }
0x2c: {  	_ =	swait.ge [sflag:s20], $0x4000  }
0x2d: {  	s21 =	sshll.u32 s21, $0x4;
	[sflag:s20] =	ssyncset.done $0x0  }
0x2e: {  	s25 =	ssub.s32 $0x2, s22;
	s21 =	sadd.s32 s24, s21;
	[sflag:s20] =	ssyncadd.s32 $0xFFFFC000  }
0x2f: {  	[hbm4b:s21+s2] =	stream.linear.scatter [tilespmem:s14], [sflag:$0x5], $0x4000, $0x38;
	[tilespmem:$0x10200] =	vst v63  }
0x30: {  	s26 =	sshrl.u32 s25, $0x1;
	_ =	swait.ge [sflag:s3], $0x4000  }
0x31: {  	s25 =	ssub.s32 s25, s26;
	[sflag:s3] =	ssyncset.done $0x0  }
0x32: {  	s22 =	simm.s32 $0x4;
	s31 =	smax.u32 s25, $0x1;
	[sflag:s3] =	ssyncadd.s32 $0xFFFFC000  }
0x33: {  	p0 =	sne.s32 s31, $0x1;
	_ =	swait.ge [sflag:s22], $0x4000  }
.Ltmp0:
0x34: {  	s23 =	sshll.u32 s23, $0x4;
	[sflag:s22] =	ssyncset.done $0x0;
	(pc) =	sbr.rel @!p0 .LBB2_2-.Ltmp0, $4  }
0x35: {  	s23 =	sadd.s32 s24, s23;
	[sflag:s22] =	ssyncadd.s32 $0xFFFFC000  }
0x36: {  	[hbm4b:s23+s2] =	stream.linear.scatter [tilespmem:s15], [sflag:$0x5], $0x4000, $0x38;
	[tilespmem:$0x10200] =	vst v63  }
0x37: {  	_ =	swait.ge [sflag:s3], $0x4000  }
0x38: {  	s24 =	sadd.s32 $0xFFFFFFFF, s31;
	[sflag:s3] =	ssyncset.done $0x0  }
.LBB2_1:
0x39: {  	p0 =	sne.s32 s24, $0x1;
	s24 =	sadd.s32 $0xFFFFFFFF, s24;
	[sflag:s3] =	ssyncadd.s32 $0xFFFFC000  }
0x3a: {  	[tilespmem:s2], [sflag:$0x5] =	stream.linear.gather [hbm4b:s4+s2], $0x80, $0x38;
	[tilespmem:$0x10200] =	vst v63  }
0x3b: {  	_ =	swait.ge [sflag:s3], $0x80  }
0x3c: {  	[sflag:s3] =	ssyncset.done $0x0  }
0x3d: {  	[sflag:s3] =	ssyncadd.s32 $0xFFFFFF80  }
0x3e: {  	[tilespmem:s6], [sflag:$0x5] =	stream.linear.gather [hbm4b:s5+s2], $0x80, $0x38;
	[tilespmem:$0x10200] =	vst v63  }
0x3f: {  	_ =	swait.ge [sflag:s3], $0x80  }
0x40: {  	[sflag:s3] =	ssyncset.done $0x0  }
0x41: {  	[sflag:s3] =	ssyncadd.s32 $0xFFFFFF80  }
0x42: {  	[tilespmem:s8], [sflag:$0x5] =	stream.linear.gather [hbm4b:s7+s2], $0x80, $0x38;
	[tilespmem:$0x10200] =	vst v63  }
0x43: {  	_ =	swait.ge [sflag:s3], $0x80  }
0x44: {  	[sflag:s3] =	ssyncset.done $0x0  }
0x45: {  	[sflag:s3] =	ssyncadd.s32 $0xFFFFFF80  }
0x46: {  	[tilespmem:s10], [sflag:$0x5] =	stream.linear.gather [hbm4b:s9+s2], $0x80, $0x38;
	[tilespmem:$0x10200] =	vst v63  }
0x47: {  	_ =	swait.ge [sflag:s3], $0x80  }
0x48: {  	[sflag:s3] =	ssyncset.done $0x0  }
0x49: {  	[sflag:s3] =	ssyncadd.s32 $0xFFFFFF80  }
0x4a: {  	[tilespmem:s12], [sflag:$0x1] =	stream.indirect.gather [hbm4b:s11+s6], $0x80, s2, s6, $0xb8;
	[tilespmem:$0x10200] =	vst v63  }
0x4b: {  	_ = 	snop  }
0x4c: {  	[tilespmem:s13], [sflag:$0x2] =	stream.indirect.gather [hbm4b:s11+s6], $0x80, s6, s6, $0xb8;
	[tilespmem:$0x10200] =	vst v63  }
0x4d: {  	_ = 	snop  }
0x4e: {  	[tilespmem:s14], [sflag:$0x3] =	stream.indirect.gather [hbm4b:s11+s6], $0x80, s8, s6, $0xb8;
	[tilespmem:$0x10200] =	vst v63  }
0x4f: {  	_ = 	snop  }
0x50: {  	[tilespmem:s15], [sflag:$0x4] =	stream.indirect.gather [hbm4b:s11+s6], $0x80, s10, s6, $0xb8;
	[tilespmem:$0x10200] =	vst v63  }
0x51: {  	_ =	swait.ge [sflag:s16], $0x4000  }
0x52: {  	[sflag:s16] =	ssyncset.done $0x0  }
0x53: {  	[sflag:s16] =	ssyncadd.s32 $0xFFFFC000  }
0x54: {  	[hbm4b:s17+s2] =	stream.linear.scatter [tilespmem:s12], [sflag:$0x5], $0x4000, $0x38;
	[tilespmem:$0x10200] =	vst v63  }
0x55: {  	_ =	swait.ge [sflag:s3], $0x4000  }
0x56: {  	[sflag:s3] =	ssyncset.done $0x0  }
0x57: {  	[sflag:s3] =	ssyncadd.s32 $0xFFFFC000  }
0x58: {  	_ =	swait.ge [sflag:s18], $0x4000  }
0x59: {  	[sflag:s18] =	ssyncset.done $0x0  }
0x5a: {  	[sflag:s18] =	ssyncadd.s32 $0xFFFFC000  }
0x5b: {  	[hbm4b:s19+s2] =	stream.linear.scatter [tilespmem:s13], [sflag:$0x5], $0x4000, $0x38;
	[tilespmem:$0x10200] =	vst v63  }
0x5c: {  	_ =	swait.ge [sflag:s3], $0x4000  }
0x5d: {  	[sflag:s3] =	ssyncset.done $0x0  }
0x5e: {  	[sflag:s3] =	ssyncadd.s32 $0xFFFFC000  }
0x5f: {  	_ =	swait.ge [sflag:s20], $0x4000  }
0x60: {  	[sflag:s20] =	ssyncset.done $0x0  }
0x61: {  	[sflag:s20] =	ssyncadd.s32 $0xFFFFC000  }
0x62: {  	[hbm4b:s21+s2] =	stream.linear.scatter [tilespmem:s14], [sflag:$0x5], $0x4000, $0x38;
	[tilespmem:$0x10200] =	vst v63  }
0x63: {  	_ =	swait.ge [sflag:s3], $0x4000  }
0x64: {  	[sflag:s3] =	ssyncset.done $0x0  }
0x65: {  	[sflag:s3] =	ssyncadd.s32 $0xFFFFC000  }
0x66: {  	_ =	swait.ge [sflag:s22], $0x4000  }
.Ltmp1:
0x67: {  	[sflag:s22] =	ssyncset.done $0x0;
	(pc) =	sbr.rel @p0 .LBB2_1-.Ltmp1, $4  }
0x68: {  	[sflag:s22] =	ssyncadd.s32 $0xFFFFC000  }
0x69: {  	[hbm4b:s23+s2] =	stream.linear.scatter [tilespmem:s15], [sflag:$0x5], $0x4000, $0x38;
	[tilespmem:$0x10200] =	vst v63  }
0x6a: {  	_ =	swait.ge [sflag:s3], $0x4000  }
0x6b: {  	[sflag:s3] =	ssyncset.done $0x0  }
.LBB2_2:
0x6c: {  	[sflag:s3] =	ssyncadd.s32 $0xFFFFC000  }
0x6d: {  	_ =	sfence.sel $0x180000  }
0x6e: {  	[bflag:$0x0] =	sbarrier.arrive $0xFFFF  }
0x6f: {  	p0 =	sne.s32 s0, $0x0;
	_ =	strace $0x90000047  }
0x70: {  	s0 =	sadd.s32 @!p0 $0x100000, s1;
	[bflag:$0x2] =	sbarrier.arrive $0xFFFF  }
0x71: {  	[sflag:s0] =	ssyncadd.tile.s32 @!p0 $0x1;
	_ =	shalt  }
.Lfunc_end2:
_tile_overlayer_lowered:
.L_overlay_start_2:
0x72: {  	(tag) =	ssettag $0x2  }
0x73: {  	s0 =	rddreg [dreg:$0x0];
	s2 =	stileid.u32  }
0x74: {  	s1 =	rddreg [dreg:$0x1];
	p0 =	sne.s32 s2, $0x0  }
0x75: {  	s3 =	rddreg [dreg:$0x2];
	[bflag:$0x3] =	sbarrier.arrive $0xFFFF;
	s2 =	simm.s32 @!p0 $0x1C05  }
0x76: {  	[timem:s3], [sflag:s2] =	dma.local @!p0 [hbm:s0], s1  }
0x77: {  	s0 =	simm.s32 @!p0 $0x5  }
0x78: {  	_ =	swait.ge @!p0 [sflag:s0], s1  }
0x79: {  	s1 =	ssub.s32 @!p0 $0x0, s1;
	[sflag:s0] =	ssyncset.done @!p0 $0x0  }
0x7a: {  	[sflag:s0] =	ssyncadd.s32 @!p0 s1  }
0x7b: {  	[bflag:$0x3] =	sbarrier.arrive $0xFFFF  }
0x7c: {  	_ =	shalt  }

</sc_bundles>
